<compile_context>
chip_gen: v7x
topology: tpu7x:2x2x1
jax: 0.10.2.dev20260603
libtpu: 0.0.44.dev20260713+nightly
codegen_flags: <defaults>
</compile_context>

<pallas_src>
import functools

import jax
import jax.numpy as jnp
from jax import lax
from jax.experimental import pallas as pl
from jax.experimental.pallas import tpu as pltpu
from jax.experimental.pallas import tpu_sc as plsc

_VOCAB = 100000
_EMBED = 128
_HIDDEN = 256
_MOE = 64
_NEXP = 8
_S = 2048
_L = 16

_NBLK = 2048


@functools.lru_cache(maxsize=None)
def _sc_gather(V, D, B):
    info = plsc.get_sparse_core_info()
    nw = info.num_cores * info.num_subcores
    bpw = B // nw
    mesh = plsc.VectorSubcoreMesh(core_axis_name="c", subcore_axis_name="s")

    @functools.partial(
        pl.kernel,
        mesh=mesh,
        out_type=jax.ShapeDtypeStruct((B, D), jnp.float32),
        scratch_types=[
            pltpu.VMEM((bpw,), jnp.int32),
            pltpu.VMEM((bpw, D), jnp.float32),
            pltpu.SemaphoreType.DMA,
        ],
        compiler_params=pltpu.CompilerParams(use_tc_tiling_on_sc=True),
    )
    def g(table_hbm, idx_hbm, out_hbm, idx_v, rows_v, sem):
        wid = lax.axis_index("s") * info.num_cores + lax.axis_index("c")
        base = wid * bpw
        pltpu.sync_copy(idx_hbm.at[pl.ds(base, bpw)], idx_v)
        pltpu.async_copy(table_hbm.at[idx_v], rows_v, sem).wait()
        pltpu.sync_copy(rows_v, out_hbm.at[pl.ds(base, bpw)])

    return g


def _fdot(a, b):
    return lax.dot_general(a, b, (((1,), (0,)), ((), ())),
                           preferred_element_type=jnp.float32)


def _gif_stack(h):
    h25 = 2.5 * h
    w = jnp.full_like(h, -2.5)
    th_sum = jnp.zeros_like(h)
    for _ in range(_L):
        w = w + h25
        th = jnp.tanh(w)
        th_sum = th_sum + th
        w = w - (1.25 * th + 1.25)
    return th_sum * (1.0 / (2 * _L)) + 0.5


def _front_compute(ids_ref, er_ref, encW_ref, encb_ref, s2cW_ref, s2cb_ref,
                   rW1_ref, rb1_ref, rW2_ref, rb2_ref, eW1_ref, eb1_ref,
                   eW2_ref, eb2_ref, c2sW_ref, c2sb_ref, decW_ref, decb_ref):
    ids = ids_ref[...]
    score = (ids % 97).astype(jnp.float32) * (1.0 / 97.0)
    it = lax.broadcasted_iota(jnp.int32, score.shape, 0)
    m1 = jnp.max(score, axis=0, keepdims=True)
    i1 = jnp.min(jnp.where(score == m1, it, _S), axis=0, keepdims=True)
    sel1 = it == i1
    m2 = jnp.max(jnp.where(sel1, -1.0, score), axis=0, keepdims=True)
    i2 = jnp.min(jnp.where((score == m2) & (~sel1), it, _S), axis=0,
                 keepdims=True)
    g = jnp.where(sel1 | (it == i2), 1.5, 1.0)

    mod = er_ref[...] * g
    spk = _gif_stack(_fdot(mod, encW_ref[...]) + encb_ref[...])
    cont = _fdot(spk, s2cW_ref[...]) + s2cb_ref[...]

    hr = jnp.tanh(_fdot(cont, rW1_ref[...]) + rb1_ref[...])
    rl = (_fdot(hr, rW2_ref[...]) + rb2_ref[...]) * g
    rmax = jnp.max(rl, axis=1, keepdims=True)
    e = jnp.exp(rl - rmax)
    p = e / jnp.sum(e, axis=1, keepdims=True)
    ie = lax.broadcasted_iota(jnp.int32, p.shape, 1)
    p1 = jnp.max(p, axis=1, keepdims=True)
    e1 = jnp.min(jnp.where(p == p1, ie, _NEXP), axis=1, keepdims=True)
    sele1 = ie == e1
    p2 = jnp.max(jnp.where(sele1, -1.0, p), axis=1, keepdims=True)
    e2 = jnp.min(jnp.where((p == p2) & (~sele1), ie, _NEXP), axis=1,
                 keepdims=True)
    denom = p1 + p2 + 1e-9
    w1 = p1 / denom
    w2 = p2 / denom

    acc = jnp.zeros_like(cont)
    for i in range(_NEXP):
        ex = _fdot(jax.nn.relu(_fdot(cont, eW1_ref[i]) + eb1_ref[i]),
                   eW2_ref[i]) + eb2_ref[i]
        wi = w1 * (e1 == i).astype(jnp.float32) + \
             w2 * (e2 == i).astype(jnp.float32)
        acc = acc + ex * wi

    rate = jax.nn.sigmoid(_fdot(acc, c2sW_ref[...]) + c2sb_ref[...])
    return _gif_stack(_fdot(rate * g, decW_ref[...]) + decb_ref[...])


def _fused_body(ids_ref, er_ref, encW_ref, encb_ref, s2cW_ref, s2cb_ref,
                rW1_ref, rb1_ref, rW2_ref, rb2_ref, eW1_ref, eb1_ref,
                eW2_ref, eb2_ref, c2sW_ref, c2sb_ref, decW_ref, decb_ref,
                wt_ref, b_ref, o_ref, dec_scr):
    @pl.when(pl.program_id(0) == 0)
    def _():
        dec_scr[...] = _front_compute(
            ids_ref, er_ref, encW_ref, encb_ref, s2cW_ref, s2cb_ref,
            rW1_ref, rb1_ref, rW2_ref, rb2_ref, eW1_ref, eb1_ref,
            eW2_ref, eb2_ref, c2sW_ref, c2sb_ref, decW_ref, decb_ref)

    b_col = jnp.transpose(b_ref[...], (1, 0))
    o_ref[...] = lax.dot_general(
        wt_ref[...], dec_scr[...], (((1,), (1,)), ((), ())),
        preferred_element_type=jnp.float32) + b_col


def _fused(ids_col, emb_rows, enc_W, enc_b, s2c_W, s2c_b, rW1, rb1, rW2,
           rb2, eW1, eb1, eW2, eb2, c2s_W, c2s_b, dec_W, dec_b, out_Wt,
           out_b2d, interpret=False):
    grid = (pl.cdiv(_VOCAB, _NBLK),)
    z2 = lambda j: (0, 0)
    z3 = lambda j: (0, 0, 0)
    front_specs = [
        pl.BlockSpec((_S, 1), z2),
        pl.BlockSpec((_S, _EMBED), z2),
        pl.BlockSpec((_EMBED, _HIDDEN), z2),
        pl.BlockSpec((1, _HIDDEN), z2),
        pl.BlockSpec((_HIDDEN, _MOE), z2),
        pl.BlockSpec((1, _MOE), z2),
        pl.BlockSpec((_MOE, 64), z2),
        pl.BlockSpec((1, 64), z2),
        pl.BlockSpec((64, _NEXP), z2),
        pl.BlockSpec((1, _NEXP), z2),
        pl.BlockSpec((_NEXP, _MOE, _HIDDEN // 2), z3),
        pl.BlockSpec((_NEXP, 1, _HIDDEN // 2), z3),
        pl.BlockSpec((_NEXP, _HIDDEN // 2, _MOE), z3),
        pl.BlockSpec((_NEXP, 1, _MOE), z3),
        pl.BlockSpec((_MOE, _HIDDEN), z2),
        pl.BlockSpec((1, _HIDDEN), z2),
        pl.BlockSpec((_HIDDEN, _EMBED), z2),
        pl.BlockSpec((1, _EMBED), z2),
    ]
    return pl.pallas_call(
        _fused_body,
        grid=grid,
        in_specs=front_specs + [
            pl.BlockSpec((_NBLK, _EMBED), lambda j: (j, 0)),
            pl.BlockSpec((1, _NBLK), lambda j: (0, j)),
        ],
        out_specs=pl.BlockSpec((_NBLK, _S), lambda j: (j, 0)),
        out_shape=jax.ShapeDtypeStruct((_VOCAB, _S), jnp.float32),
        scratch_shapes=[pltpu.VMEM((_S, _EMBED), jnp.float32)],
        compiler_params=pltpu.CompilerParams(
            dimension_semantics=("arbitrary",),
            vmem_limit_bytes=56 * 1024 * 1024),
        interpret=interpret,
    )(ids_col, emb_rows, enc_W, enc_b.reshape(1, -1), s2c_W,
      s2c_b.reshape(1, -1), rW1, rb1.reshape(1, -1), rW2,
      rb2.reshape(1, -1), eW1, eb1.reshape(_NEXP, 1, -1), eW2,
      eb2.reshape(_NEXP, 1, -1), c2s_W, c2s_b.reshape(1, -1), dec_W,
      dec_b.reshape(1, -1), out_Wt, out_b2d)


def kernel(input_ids, emb, enc_W, enc_b, s2c_W, s2c_b, rW1, rb1, rW2, rb2,
           eW1, eb1, eW2, eb2, c2s_W, c2s_b, dec_W, dec_b, out_W, out_b):
    bsz, seq = input_ids.shape
    ids_flat = input_ids.reshape(-1)
    emb_rows = _sc_gather(_VOCAB, _EMBED, bsz * seq)(emb, ids_flat)
    logits_t = _fused(ids_flat.reshape(-1, 1), emb_rows, enc_W, enc_b,
                      s2c_W, s2c_b, rW1, rb1, rW2, rb2, eW1, eb1, eW2,
                      eb2, c2s_W, c2s_b, dec_W, dec_b, out_W.T,
                      out_b.reshape(1, -1))
    return logits_t.T.reshape(bsz, seq, _VOCAB)

# --- scband reference (transcript-rebuilt; emitter-appended) ---
"""Pipeline reference for scband-full-language-zone-52415780880481 (READ-ONLY COPY).

The authoritative reference and input builder live on the scoring server;
editing this copy changes nothing except your own understanding.
"""

import jax, jax.numpy as jnp
import numpy as np

VOCAB = 100000
EMBED = 128
HIDDEN = 256
MOE = 64
NEXP = 8
TOPK = 2
B = 1
S = 2048
L = 16
RHID = 64


def setup_inputs(seed: int = 0):
    key = jax.random.key(seed)
    ks = jax.random.split(key, 24)

    def pr(k, shape, fan):
        return (jax.random.normal(k, shape, dtype=jnp.float32) / np.sqrt(fan)).astype(jnp.float32)

    inp = {}
    inp["input_ids"] = jax.random.randint(ks[0], (B, S), 0, VOCAB, dtype=jnp.int32)
    inp["emb"] = jax.random.normal(ks[1], (VOCAB, EMBED), dtype=jnp.float32) * 0.02
    inp["enc_W"] = pr(ks[2], (EMBED, HIDDEN), EMBED)
    inp["enc_b"] = jnp.zeros((HIDDEN,), jnp.float32)
    inp["s2c_W"] = pr(ks[3], (HIDDEN, MOE), HIDDEN)
    inp["s2c_b"] = jnp.zeros((MOE,), jnp.float32)
    inp["rW1"] = pr(ks[4], (MOE, RHID), MOE)
    inp["rb1"] = jnp.zeros((RHID,), jnp.float32)
    inp["rW2"] = pr(ks[5], (RHID, NEXP), RHID)
    inp["rb2"] = jnp.zeros((NEXP,), jnp.float32)
    inp["eW1"] = pr(ks[6], (NEXP, MOE, HIDDEN // 2), MOE)
    inp["eb1"] = jnp.zeros((NEXP, HIDDEN // 2), jnp.float32)
    inp["eW2"] = pr(ks[7], (NEXP, HIDDEN // 2, MOE), HIDDEN // 2)
    inp["eb2"] = jnp.zeros((NEXP, MOE), jnp.float32)
    inp["c2s_W"] = pr(ks[8], (MOE, HIDDEN), MOE)
    inp["c2s_b"] = jnp.zeros((HIDDEN,), jnp.float32)
    inp["dec_W"] = pr(ks[9], (HIDDEN, EMBED), HIDDEN)
    inp["dec_b"] = jnp.zeros((EMBED,), jnp.float32)
    inp["out_W"] = pr(ks[10], (EMBED, VOCAB), EMBED)
    inp["out_b"] = jnp.zeros((VOCAB,), jnp.float32)
    return inp


def _gif(x, W, b):
    # GIF spiking neuron over L internal steps with differentiable surrogate spike;
    # returns mean spike rate over the L steps.
    h = jnp.dot(x, W) + b
    v = jnp.zeros_like(h)
    s_sum = jnp.zeros_like(h)
    for _ in range(L):
        v = v + h
        s = jax.nn.sigmoid(5.0 * (v - 1.0))
        v = v - s
        s_sum = s_sum + s
    return s_sum / float(L)


def _prosody_gains(input_ids):
    # ProsodyAttentionBridge: deterministic token-salience; k_winners=TOPK tokens
    # per sequence receive boosted gain.
    score = (input_ids % 97).astype(jnp.float32) / 97.0
    _, widx = jax.lax.top_k(score, TOPK)
    gains = jnp.ones_like(score)
    rows = jnp.arange(input_ids.shape[0])[:, None]
    gains = gains.at[rows, widx].set(1.5)
    return gains


def _forward(input_ids, emb, enc_W, enc_b, s2c_W, s2c_b, rW1, rb1, rW2, rb2,
             eW1, eb1, eW2, eb2, c2s_W, c2s_b, dec_W, dec_b, out_W, out_b):
    bsz, seq = input_ids.shape
    gains = _prosody_gains(input_ids)
    embeds = jnp.take(emb, input_ids, axis=0)
    mod = embeds * gains[..., None]
    spk = _gif(mod, enc_W, enc_b)
    flat = spk.reshape(bsz * seq, HIDDEN)
    # SpikeToContinuousBridge (rate encoding): time-mean (trivial for T=1) + linear
    cont = jnp.dot(flat, s2c_W) + s2c_b
    fg = gains.reshape(-1, 1)
    # LiquidMoERouter modulated by attention gain
    hr = jnp.tanh(jnp.dot(cont, rW1) + rb1)
    rlogits = (jnp.dot(hr, rW2) + rb2) * fg
    probs = jax.nn.softmax(rlogits, axis=-1)
    topv, topi = jax.lax.top_k(probs, TOPK)
    w = topv / (jnp.sum(topv, axis=-1, keepdims=True) + 1e-9)
    expert_out = jnp.zeros_like(cont)
    for i in range(NEXP):
        ex = jnp.dot(jax.nn.relu(jnp.dot(cont, eW1[i]) + eb1[i]), eW2[i]) + eb2[i]
        wi = jnp.sum(w * (topi == i).astype(jnp.float32), axis=1, keepdims=True)
        expert_out = expert_out + ex * wi
    # ContinuousToSpikeBridge (poisson rate -> deterministic rate), then time-mean
    rate = jax.nn.sigmoid(jnp.dot(expert_out, c2s_W) + c2s_b)
    spikes_avg = rate.reshape(bsz, seq, HIDDEN)
    mod2 = spikes_avg * gains[..., None]
    dec = _gif(mod2, dec_W, dec_b)
    logits = jnp.dot(dec, out_W) + out_b
    return logits


def reference(input_ids, emb, enc_W, enc_b, s2c_W, s2c_b, rW1, rb1, rW2, rb2,
              eW1, eb1, eW2, eb2, c2s_W, c2s_b, dec_W, dec_b, out_W, out_b):
    return _forward(input_ids, emb, enc_W, enc_b, s2c_W, s2c_b, rW1, rb1, rW2, rb2,
                    eW1, eb1, eW2, eb2, c2s_W, c2s_b, dec_W, dec_b, out_W, out_b)

if __name__ == "__main__":
    import jax
    _d = setup_inputs()
    print(jax.jit(kernel)(*tuple(_d.values())))

</pallas_src>

<mosaic_0001>
#map = affine_map<(d0, d1) -> (0, 0)>
#map1 = affine_map<(d0, d1) -> (0)>
module attributes {stable_mosaic.version = 14 : i64} {
  func.func @g(%arg0: i32, %arg1: i32, %arg2: memref<100000x128xf32, #tpu.memory_space<hbm>>, %arg3: memref<2048xi32, #tpu.memory_space<hbm>>, %arg4: memref<2048x128xf32, #tpu.memory_space<hbm>>, %arg5: memref<64xi32, #tpu.memory_space<vmem>>, %arg6: memref<64x128xf32, #tpu.memory_space<vmem>>, %arg7: memref<!tpu.dma_semaphore, #tpu.memory_space<semaphore_mem>>) attributes {dimension_semantics = [#tpu.dimension_semantics<core_parallel>, #tpu.dimension_semantics<subcore_parallel>], iteration_bounds = array<i64: 2, 16>, scalar_prefetch = 0 : i64, scratch_operands = 3 : i64, tpu.core_type = #tpu.core_type<sc_vector_subcore>, window_params = [{transform_indices = #map}, {transform_indices = #map1}, {transform_indices = #map}]} {
    %mul3A = arith.constant 2 : i32
    %mul3A_0 = arith.muli %arg1, %mul3A : i32
    %add3A = arith.addi %mul3A_0, %arg0 : i32
    %mul3A_1 = arith.constant 64 : i32
    %mul3A_2 = arith.muli %add3A, %mul3A_1 : i32
    "tpu.region"() ({
      %run_scoped3A = tpu.sem_alloc : memref<!tpu.dma_semaphore, #tpu.memory_space<semaphore_mem>>
      %dma_start3A_7 = tpu.memref_slice %arg3[%mul3A_2] : memref<2048xi32, #tpu.memory_space<hbm>> -> memref<64xi32, #tpu.memory_space<hbm>>
      %dma_start3A_8 = tpu.memref_slice %arg3[%mul3A_2] : memref<2048xi32, #tpu.memory_space<hbm>> -> memref<64xi32, #tpu.memory_space<hbm>>
      tpu.enqueue_dma source(%dma_start3A_8 : memref<64xi32, #tpu.memory_space<hbm>>) target(%arg5 : memref<64xi32, #tpu.memory_space<vmem>>) target_semaphore(%run_scoped3A : memref<!tpu.dma_semaphore, #tpu.memory_space<semaphore_mem>>)
      %dma_wait3A_9 = tpu.memref_slice %arg3[%mul3A_2] : memref<2048xi32, #tpu.memory_space<hbm>> -> memref<64xi32, #tpu.memory_space<hbm>>
      %dma_wait3A_10 = tpu.memref_slice %arg3[%mul3A_2] : memref<2048xi32, #tpu.memory_space<hbm>> -> memref<64xi32, #tpu.memory_space<hbm>>
      tpu.wait_dma2 semaphore(%run_scoped3A : memref<!tpu.dma_semaphore, #tpu.memory_space<semaphore_mem>>) src(%dma_wait3A_10 : memref<64xi32, #tpu.memory_space<hbm>>) dst(%arg5 : memref<64xi32, #tpu.memory_space<vmem>>)
      tpu.yield
    }) : () -> ()
    %dma_start3A = arith.constant 0 : i32
    %dma_start3A_3 = arith.constant 0 : i32
    %dma_start3A_4 = tpu.memref_slice %arg2[%dma_start3A, %dma_start3A_3] : memref<100000x128xf32, #tpu.memory_space<hbm>> -> memref<100000x128xf32, #tpu.memory_space<hbm>>
    tpu.enqueue_indirect_dma source(%dma_start3A_4 : memref<100000x128xf32, #tpu.memory_space<hbm>>) target(%arg6 : memref<64x128xf32, #tpu.memory_space<vmem>>) offsets(%arg5 : memref<64xi32, #tpu.memory_space<vmem>>) semaphore(%arg7 : memref<!tpu.dma_semaphore, #tpu.memory_space<semaphore_mem>>)
    %dma_wait3A = arith.constant 0 : i32
    %dma_wait3A_5 = arith.constant 0 : i32
    %dma_wait3A_6 = tpu.memref_slice %arg2[%dma_wait3A, %dma_wait3A_5] : memref<100000x128xf32, #tpu.memory_space<hbm>> -> memref<100000x128xf32, #tpu.memory_space<hbm>>
    tpu.wait_indirect_dma semaphore(%arg7 : memref<!tpu.dma_semaphore, #tpu.memory_space<semaphore_mem>>) src(%dma_wait3A_6 : memref<100000x128xf32, #tpu.memory_space<hbm>>) dst(%arg6 : memref<64x128xf32, #tpu.memory_space<vmem>>)
    "tpu.region"() ({
      %run_scoped3A = tpu.sem_alloc : memref<!tpu.dma_semaphore, #tpu.memory_space<semaphore_mem>>
      %dma_start3A_7 = arith.constant 0 : i32
      %dma_start3A_8 = tpu.memref_slice %arg4[%mul3A_2, %dma_start3A_7] : memref<2048x128xf32, #tpu.memory_space<hbm>> -> memref<64x128xf32, #tpu.memory_space<hbm>>
      %dma_start3A_9 = arith.constant 0 : i32
      %dma_start3A_10 = tpu.memref_slice %arg4[%mul3A_2, %dma_start3A_9] : memref<2048x128xf32, #tpu.memory_space<hbm>> -> memref<64x128xf32, #tpu.memory_space<hbm>>
      tpu.enqueue_dma source(%arg6 : memref<64x128xf32, #tpu.memory_space<vmem>>) target(%dma_start3A_10 : memref<64x128xf32, #tpu.memory_space<hbm>>) target_semaphore(%run_scoped3A : memref<!tpu.dma_semaphore, #tpu.memory_space<semaphore_mem>>)
      %dma_wait3A_11 = arith.constant 0 : i32
      %dma_wait3A_12 = tpu.memref_slice %arg4[%mul3A_2, %dma_wait3A_11] : memref<2048x128xf32, #tpu.memory_space<hbm>> -> memref<64x128xf32, #tpu.memory_space<hbm>>
      %dma_wait3A_13 = arith.constant 0 : i32
      %dma_wait3A_14 = tpu.memref_slice %arg4[%mul3A_2, %dma_wait3A_13] : memref<2048x128xf32, #tpu.memory_space<hbm>> -> memref<64x128xf32, #tpu.memory_space<hbm>>
      tpu.wait_dma2 semaphore(%run_scoped3A : memref<!tpu.dma_semaphore, #tpu.memory_space<semaphore_mem>>) src(%arg6 : memref<64x128xf32, #tpu.memory_space<vmem>>) dst(%dma_wait3A_14 : memref<64x128xf32, #tpu.memory_space<hbm>>)
      tpu.yield
    }) : () -> ()
    return
  }
}

module attributes {stable_mosaic.version = 14 : i64} {
  func.func @_fused_body(%arg0: i32, %arg1: memref<2048x1xi32, #tpu.memory_space<vmem>>, %arg2: memref<2048x128xf32, #tpu.memory_space<vmem>>, %arg3: memref<128x256xf32, #tpu.memory_space<vmem>>, %arg4: memref<1x256xf32, #tpu.memory_space<vmem>>, %arg5: memref<256x64xf32, #tpu.memory_space<vmem>>, %arg6: memref<1x64xf32, #tpu.memory_space<vmem>>, %arg7: memref<64x64xf32, #tpu.memory_space<vmem>>, %arg8: memref<1x64xf32, #tpu.memory_space<vmem>>, %arg9: memref<64x8xf32, #tpu.memory_space<vmem>>, %arg10: memref<1x8xf32, #tpu.memory_space<vmem>>, %arg11: memref<8x64x128xf32, #tpu.memory_space<vmem>>, %arg12: memref<8x1x128xf32, #tpu.memory_space<vmem>>, %arg13: memref<8x128x64xf32, #tpu.memory_space<vmem>>, %arg14: memref<8x1x64xf32, #tpu.memory_space<vmem>>, %arg15: memref<64x256xf32, #tpu.memory_space<vmem>>, %arg16: memref<1x256xf32, #tpu.memory_space<vmem>>, %arg17: memref<256x128xf32, #tpu.memory_space<vmem>>, %arg18: memref<1x128xf32, #tpu.memory_space<vmem>>, %arg19: memref<2048x128xf32, #tpu.memory_space<vmem>>, %arg20: memref<1x2048xf32, #tpu.memory_space<vmem>>, %arg21: memref<2048x2048xf32, #tpu.memory_space<vmem>>, %arg22: memref<2048x128xf32, #tpu.memory_space<vmem>>) attributes {dimension_semantics = [#tpu.dimension_semantics<arbitrary>], iteration_bounds = array<i64: 49>, scalar_prefetch = 0 : i64, scratch_operands = 1 : i64, tpu.core_type = #tpu.core_type<tc>, window_params = [{pipeline_mode = #tpu.pipeline_mode<synchronous>, transform_indices = @transform_0, window_bounds = array<i64: 2048, 1>}, {pipeline_mode = #tpu.pipeline_mode<synchronous>, transform_indices = @transform_1, window_bounds = array<i64: 2048, 128>}, {pipeline_mode = #tpu.pipeline_mode<synchronous>, transform_indices = @transform_2, window_bounds = array<i64: 128, 256>}, {pipeline_mode = #tpu.pipeline_mode<synchronous>, transform_indices = @transform_3, window_bounds = array<i64: 1, 256>}, {pipeline_mode = #tpu.pipeline_mode<synchronous>, transform_indices = @transform_4, window_bounds = array<i64: 256, 64>}, {pipeline_mode = #tpu.pipeline_mode<synchronous>, transform_indices = @transform_5, window_bounds = array<i64: 1, 64>}, {pipeline_mode = #tpu.pipeline_mode<synchronous>, transform_indices = @transform_6, window_bounds = array<i64: 64, 64>}, {pipeline_mode = #tpu.pipeline_mode<synchronous>, transform_indices = @transform_7, window_bounds = array<i64: 1, 64>}, {pipeline_mode = #tpu.pipeline_mode<synchronous>, transform_indices = @transform_8, window_bounds = array<i64: 64, 8>}, {pipeline_mode = #tpu.pipeline_mode<synchronous>, transform_indices = @transform_9, window_bounds = array<i64: 1, 8>}, {pipeline_mode = #tpu.pipeline_mode<synchronous>, transform_indices = @transform_10, window_bounds = array<i64: 8, 64, 128>}, {pipeline_mode = #tpu.pipeline_mode<synchronous>, transform_indices = @transform_11, window_bounds = array<i64: 8, 1, 128>}, {pipeline_mode = #tpu.pipeline_mode<synchronous>, transform_indices = @transform_12, window_bounds = array<i64: 8, 128, 64>}, {pipeline_mode = #tpu.pipeline_mode<synchronous>, transform_indices = @transform_13, window_bounds = array<i64: 8, 1, 64>}, {pipeline_mode = #tpu.pipeline_mode<synchronous>, transform_indices = @transform_14, window_bounds = array<i64: 64, 256>}, {pipeline_mode = #tpu.pipeline_mode<synchronous>, transform_indices = @transform_15, window_bounds = array<i64: 1, 256>}, {pipeline_mode = #tpu.pipeline_mode<synchronous>, transform_indices = @transform_16, window_bounds = array<i64: 256, 128>}, {pipeline_mode = #tpu.pipeline_mode<synchronous>, transform_indices = @transform_17, window_bounds = array<i64: 1, 128>}, {transform_indices = @transform_18, window_bounds = array<i64: 2048, 128>}, {transform_indices = @transform_19, window_bounds = array<i64: 1, 2048>}, {transform_indices = @transform_20, window_bounds = array<i64: 2048, 2048>}]} {
    %eq3A = arith.constant 0 : i32
    %eq3A_0 = arith.cmpi eq, %arg0, %eq3A : i32
    %convert_element_type3A = arith.extui %eq3A_0 : i1 to i32
    %cond3A = arith.constant 0 : i32
    %cond3A_1 = arith.cmpi ne, %convert_element_type3A, %cond3A : i32
    scf.if %cond3A_1 {
      %get3A_14 = arith.constant 0 : index
      %get3A_15 = arith.constant 0 : index
      %get3A_16 = vector.load %arg1[%get3A_14, %get3A_15] : memref<2048x1xi32, #tpu.memory_space<vmem>>, vector<2048x1xi32>
      %jit3A = arith.constant 97 : i32
      %eq3A_17 = arith.constant 0 : i32
      %eq3A_18 = arith.cmpi eq, %jit3A, %eq3A_17 : i32
      %jit3A_19 = arith.constant 1 : i32
      %select_n3A = arith.select %eq3A_18, %jit3A_19, %jit3A : i32
      %rem3A = vector.broadcast %select_n3A : i32 to vector<2048x1xi32>
      %rem3A_20 = arith.remsi %get3A_16, %rem3A : vector<2048x1xi32>
      %ne3A = arith.constant 0 : i32
      %ne3A_21 = vector.broadcast %ne3A : i32 to vector<2048x1xi32>
      %ne3A_22 = arith.cmpi ne, %rem3A_20, %ne3A_21 : vector<2048x1xi32>
      %lt3A = arith.constant 0 : i32
      %lt3A_23 = vector.broadcast %lt3A : i32 to vector<2048x1xi32>
      %lt3A_24 = arith.cmpi slt, %rem3A_20, %lt3A_23 : vector<2048x1xi32>
      %lt3A_25 = arith.constant 0 : i32
      %lt3A_26 = arith.cmpi slt, %select_n3A, %lt3A_25 : i32
      %ne3A_27 = vector.broadcast %lt3A_26 : i1 to vector<2048x1xi1>
      %ne3A_28 = vector.broadcast %ne3A_27 : vector<2048x1xi1> to vector<2048x1xi1>
      %ne3A_29 = arith.xori %lt3A_24, %ne3A_28 : vector<2048x1xi1>
      %and3A = arith.andi %ne3A_29, %ne3A_22 : vector<2048x1xi1>
      %add3A_30 = vector.broadcast %select_n3A : i32 to vector<2048x1xi32>
      %add3A_31 = arith.addi %rem3A_20, %add3A_30 : vector<2048x1xi32>
      %select_n3A_32 = arith.select %and3A, %add3A_31, %rem3A_20 : vector<2048x1xi1>, vector<2048x1xi32>
      %convert_element_type3A_33 = arith.sitofp %select_n3A_32 : vector<2048x1xi32> to vector<2048x1xf32>
      %mul3A = arith.constant 0.010309278 : f32
      %mul3A_34 = vector.broadcast %mul3A : f32 to vector<2048x1xf32>
      %mul3A_35 = arith.mulf %convert_element_type3A_33, %mul3A_34 : vector<2048x1xf32>
      %iota3A = tpu.iota {dimensions = array<i32: 0>} : vector<2048x1xi32>
      %reduce_max3A = arith.constant dense<0xFF800000> : vector<1xf32>
      %reduce_max3A_36 = vector.multi_reduction <maximumf>, %mul3A_35, %reduce_max3A [0] : vector<2048x1xf32> to vector<1xf32>
      %broadcast_in_dim3A = vector.shape_cast %reduce_max3A_36 : vector<1xf32> to vector<1x1xf32>
      %eq3A_37 = vector.broadcast %broadcast_in_dim3A : vector<1x1xf32> to vector<2048x1xf32>
      %eq3A_38 = arith.cmpf oeq, %mul3A_35, %eq3A_37 : vector<2048x1xf32>
      %jit3A_39 = arith.constant 2048 : i32
      %broadcast_in_dim3A_40 = vector.broadcast %jit3A_39 : i32 to vector<2048x1xi32>
      %select_n3A_41 = arith.select %eq3A_38, %iota3A, %broadcast_in_dim3A_40 : vector<2048x1xi1>, vector<2048x1xi32>
      %reduce_min3A = arith.constant dense<2147483647> : vector<1xi32>
      %reduce_min3A_42 = vector.multi_reduction <minsi>, %select_n3A_41, %reduce_min3A [0] : vector<2048x1xi32> to vector<1xi32>
      %broadcast_in_dim3A_43 = vector.shape_cast %reduce_min3A_42 : vector<1xi32> to vector<1x1xi32>
      %eq3A_44 = vector.broadcast %broadcast_in_dim3A_43 : vector<1x1xi32> to vector<2048x1xi32>
      %eq3A_45 = arith.cmpi eq, %iota3A, %eq3A_44 : vector<2048x1xi32>
      %jit3A_46 = arith.constant -1.000000e+00 : f32
      %broadcast_in_dim3A_47 = vector.broadcast %jit3A_46 : f32 to vector<2048x1xf32>
      %select_n3A_48 = arith.select %eq3A_45, %broadcast_in_dim3A_47, %mul3A_35 : vector<2048x1xi1>, vector<2048x1xf32>
      %reduce_max3A_49 = arith.constant dense<0xFF800000> : vector<1xf32>
      %reduce_max3A_50 = vector.multi_reduction <maximumf>, %select_n3A_48, %reduce_max3A_49 [0] : vector<2048x1xf32> to vector<1xf32>
      %broadcast_in_dim3A_51 = vector.shape_cast %reduce_max3A_50 : vector<1xf32> to vector<1x1xf32>
      %eq3A_52 = vector.broadcast %broadcast_in_dim3A_51 : vector<1x1xf32> to vector<2048x1xf32>
      %eq3A_53 = arith.cmpf oeq, %mul3A_35, %eq3A_52 : vector<2048x1xf32>
      %not3A = arith.constant dense<true> : vector<2048x1xi1>
      %not3A_54 = arith.xori %eq3A_45, %not3A : vector<2048x1xi1>
      %and3A_55 = arith.andi %eq3A_53, %not3A_54 : vector<2048x1xi1>
      %jit3A_56 = arith.constant 2048 : i32
      %broadcast_in_dim3A_57 = vector.broadcast %jit3A_56 : i32 to vector<2048x1xi32>
      %select_n3A_58 = arith.select %and3A_55, %iota3A, %broadcast_in_dim3A_57 : vector<2048x1xi1>, vector<2048x1xi32>
      %reduce_min3A_59 = arith.constant dense<2147483647> : vector<1xi32>
      %reduce_min3A_60 = vector.multi_reduction <minsi>, %select_n3A_58, %reduce_min3A_59 [0] : vector<2048x1xi32> to vector<1xi32>
      %broadcast_in_dim3A_61 = vector.shape_cast %reduce_min3A_60 : vector<1xi32> to vector<1x1xi32>
      %eq3A_62 = vector.broadcast %broadcast_in_dim3A_61 : vector<1x1xi32> to vector<2048x1xi32>
      %eq3A_63 = arith.cmpi eq, %iota3A, %eq3A_62 : vector<2048x1xi32>
      %or3A = arith.ori %eq3A_45, %eq3A_63 : vector<2048x1xi1>
      %jit3A_64 = arith.constant 1.500000e+00 : f32
      %jit3A_65 = arith.constant 1.000000e+00 : f32
      %broadcast_in_dim3A_66 = vector.broadcast %jit3A_64 : f32 to vector<2048x1xf32>
      %broadcast_in_dim3A_67 = vector.broadcast %jit3A_65 : f32 to vector<2048x1xf32>
      %select_n3A_68 = arith.select %or3A, %broadcast_in_dim3A_66, %broadcast_in_dim3A_67 : vector<2048x1xi1>, vector<2048x1xf32>
      %get3A_69 = arith.constant 0 : index
      %get3A_70 = arith.constant 0 : index
      %get3A_71 = vector.load %arg2[%get3A_69, %get3A_70] : memref<2048x128xf32, #tpu.memory_space<vmem>>, vector<2048x128xf32>
      %mul3A_72 = vector.broadcast %select_n3A_68 : vector<2048x1xf32> to vector<2048x128xf32>
      %mul3A_73 = arith.mulf %get3A_71, %mul3A_72 : vector<2048x128xf32>
      %get3A_74 = arith.constant 0 : index
      %get3A_75 = arith.constant 0 : index
      %get3A_76 = vector.load %arg3[%get3A_74, %get3A_75] : memref<128x256xf32, #tpu.memory_space<vmem>>, vector<128x256xf32>
      %dot_general3A_77 = arith.constant dense<0.000000e+00> : vector<2048x256xf32>
      %dot_general3A_78 = tpu.matmul %mul3A_73, %get3A_76, %dot_general3A_77 {dimension_numbers = #tpu.dot_dimension_numbers<[1], [0], [0], [1], [0, 0, 1, 1], [], []>, transpose_lhs_hint = false} : vector<2048x128xf32>, vector<128x256xf32>, vector<2048x256xf32> -> vector<2048x256xf32>
      %get3A_79 = arith.constant 0 : index
      %get3A_80 = arith.constant 0 : index
      %get3A_81 = vector.load %arg4[%get3A_79, %get3A_80] : memref<1x256xf32, #tpu.memory_space<vmem>>, vector<1x256xf32>
      %add3A_82 = vector.broadcast %get3A_81 : vector<1x256xf32> to vector<2048x256xf32>
      %add3A_83 = arith.addf %dot_general3A_78, %add3A_82 : vector<2048x256xf32>
      %mul3A_84 = arith.constant 2.500000e+00 : f32
      %mul3A_85 = vector.broadcast %mul3A_84 : f32 to vector<2048x256xf32>
      %mul3A_86 = arith.mulf %mul3A_85, %add3A_83 : vector<2048x256xf32>
      %broadcast_in_dim3A_87 = arith.constant -2.500000e+00 : f32
      %broadcast_in_dim3A_88 = vector.broadcast %broadcast_in_dim3A_87 : f32 to vector<2048x256xf32>
      %broadcast_in_dim3A_89 = arith.constant 0.000000e+00 : f32
      %broadcast_in_dim3A_90 = vector.broadcast %broadcast_in_dim3A_89 : f32 to vector<2048x256xf32>
      %add3A_91 = arith.addf %broadcast_in_dim3A_88, %mul3A_86 : vector<2048x256xf32>
      %tanh3A = math.tanh %add3A_91 : vector<2048x256xf32>
      %add3A_92 = arith.addf %broadcast_in_dim3A_90, %tanh3A : vector<2048x256xf32>
      %mul3A_93 = arith.constant 1.250000e+00 : f32
      %mul3A_94 = vector.broadcast %mul3A_93 : f32 to vector<2048x256xf32>
      %mul3A_95 = arith.mulf %mul3A_94, %tanh3A : vector<2048x256xf32>
      %add3A_96 = arith.constant 1.250000e+00 : f32
      %add3A_97 = vector.broadcast %add3A_96 : f32 to vector<2048x256xf32>
      %add3A_98 = arith.addf %mul3A_95, %add3A_97 : vector<2048x256xf32>
      %sub3A = arith.subf %add3A_91, %add3A_98 : vector<2048x256xf32>
      %add3A_99 = arith.addf %sub3A, %mul3A_86 : vector<2048x256xf32>
      %tanh3A_100 = math.tanh %add3A_99 : vector<2048x256xf32>
      %add3A_101 = arith.addf %add3A_92, %tanh3A_100 : vector<2048x256xf32>
      %mul3A_102 = arith.constant 1.250000e+00 : f32
      %mul3A_103 = vector.broadcast %mul3A_102 : f32 to vector<2048x256xf32>
      %mul3A_104 = arith.mulf %mul3A_103, %tanh3A_100 : vector<2048x256xf32>
      %add3A_105 = arith.constant 1.250000e+00 : f32
      %add3A_106 = vector.broadcast %add3A_105 : f32 to vector<2048x256xf32>
      %add3A_107 = arith.addf %mul3A_104, %add3A_106 : vector<2048x256xf32>
      %sub3A_108 = arith.subf %add3A_99, %add3A_107 : vector<2048x256xf32>
      %add3A_109 = arith.addf %sub3A_108, %mul3A_86 : vector<2048x256xf32>
      %tanh3A_110 = math.tanh %add3A_109 : vector<2048x256xf32>
      %add3A_111 = arith.addf %add3A_101, %tanh3A_110 : vector<2048x256xf32>
      %mul3A_112 = arith.constant 1.250000e+00 : f32
      %mul3A_113 = vector.broadcast %mul3A_112 : f32 to vector<2048x256xf32>
      %mul3A_114 = arith.mulf %mul3A_113, %tanh3A_110 : vector<2048x256xf32>
      %add3A_115 = arith.constant 1.250000e+00 : f32
      %add3A_116 = vector.broadcast %add3A_115 : f32 to vector<2048x256xf32>
      %add3A_117 = arith.addf %mul3A_114, %add3A_116 : vector<2048x256xf32>
      %sub3A_118 = arith.subf %add3A_109, %add3A_117 : vector<2048x256xf32>
      %add3A_119 = arith.addf %sub3A_118, %mul3A_86 : vector<2048x256xf32>
      %tanh3A_120 = math.tanh %add3A_119 : vector<2048x256xf32>
      %add3A_121 = arith.addf %add3A_111, %tanh3A_120 : vector<2048x256xf32>
      %mul3A_122 = arith.constant 1.250000e+00 : f32
      %mul3A_123 = vector.broadcast %mul3A_122 : f32 to vector<2048x256xf32>
      %mul3A_124 = arith.mulf %mul3A_123, %tanh3A_120 : vector<2048x256xf32>
      %add3A_125 = arith.constant 1.250000e+00 : f32
      %add3A_126 = vector.broadcast %add3A_125 : f32 to vector<2048x256xf32>
      %add3A_127 = arith.addf %mul3A_124, %add3A_126 : vector<2048x256xf32>
      %sub3A_128 = arith.subf %add3A_119, %add3A_127 : vector<2048x256xf32>
      %add3A_129 = arith.addf %sub3A_128, %mul3A_86 : vector<2048x256xf32>
      %tanh3A_130 = math.tanh %add3A_129 : vector<2048x256xf32>
      %add3A_131 = arith.addf %add3A_121, %tanh3A_130 : vector<2048x256xf32>
      %mul3A_132 = arith.constant 1.250000e+00 : f32
      %mul3A_133 = vector.broadcast %mul3A_132 : f32 to vector<2048x256xf32>
      %mul3A_134 = arith.mulf %mul3A_133, %tanh3A_130 : vector<2048x256xf32>
      %add3A_135 = arith.constant 1.250000e+00 : f32
      %add3A_136 = vector.broadcast %add3A_135 : f32 to vector<2048x256xf32>
      %add3A_137 = arith.addf %mul3A_134, %add3A_136 : vector<2048x256xf32>
      %sub3A_138 = arith.subf %add3A_129, %add3A_137 : vector<2048x256xf32>
      %add3A_139 = arith.addf %sub3A_138, %mul3A_86 : vector<2048x256xf32>
      %tanh3A_140 = math.tanh %add3A_139 : vector<2048x256xf32>
      %add3A_141 = arith.addf %add3A_131, %tanh3A_140 : vector<2048x256xf32>
      %mul3A_142 = arith.constant 1.250000e+00 : f32
      %mul3A_143 = vector.broadcast %mul3A_142 : f32 to vector<2048x256xf32>
      %mul3A_144 = arith.mulf %mul3A_143, %tanh3A_140 : vector<2048x256xf32>
      %add3A_145 = arith.constant 1.250000e+00 : f32
      %add3A_146 = vector.broadcast %add3A_145 : f32 to vector<2048x256xf32>
      %add3A_147 = arith.addf %mul3A_144, %add3A_146 : vector<2048x256xf32>
      %sub3A_148 = arith.subf %add3A_139, %add3A_147 : vector<2048x256xf32>
      %add3A_149 = arith.addf %sub3A_148, %mul3A_86 : vector<2048x256xf32>
      %tanh3A_150 = math.tanh %add3A_149 : vector<2048x256xf32>
      %add3A_151 = arith.addf %add3A_141, %tanh3A_150 : vector<2048x256xf32>
      %mul3A_152 = arith.constant 1.250000e+00 : f32
      %mul3A_153 = vector.broadcast %mul3A_152 : f32 to vector<2048x256xf32>
      %mul3A_154 = arith.mulf %mul3A_153, %tanh3A_150 : vector<2048x256xf32>
      %add3A_155 = arith.constant 1.250000e+00 : f32
      %add3A_156 = vector.broadcast %add3A_155 : f32 to vector<2048x256xf32>
      %add3A_157 = arith.addf %mul3A_154, %add3A_156 : vector<2048x256xf32>
      %sub3A_158 = arith.subf %add3A_149, %add3A_157 : vector<2048x256xf32>
      %add3A_159 = arith.addf %sub3A_158, %mul3A_86 : vector<2048x256xf32>
      %tanh3A_160 = math.tanh %add3A_159 : vector<2048x256xf32>
      %add3A_161 = arith.addf %add3A_151, %tanh3A_160 : vector<2048x256xf32>
      %mul3A_162 = arith.constant 1.250000e+00 : f32
      %mul3A_163 = vector.broadcast %mul3A_162 : f32 to vector<2048x256xf32>
      %mul3A_164 = arith.mulf %mul3A_163, %tanh3A_160 : vector<2048x256xf32>
      %add3A_165 = arith.constant 1.250000e+00 : f32
      %add3A_166 = vector.broadcast %add3A_165 : f32 to vector<2048x256xf32>
      %add3A_167 = arith.addf %mul3A_164, %add3A_166 : vector<2048x256xf32>
      %sub3A_168 = arith.subf %add3A_159, %add3A_167 : vector<2048x256xf32>
      %add3A_169 = arith.addf %sub3A_168, %mul3A_86 : vector<2048x256xf32>
      %tanh3A_170 = math.tanh %add3A_169 : vector<2048x256xf32>
      %add3A_171 = arith.addf %add3A_161, %tanh3A_170 : vector<2048x256xf32>
      %mul3A_172 = arith.constant 1.250000e+00 : f32
      %mul3A_173 = vector.broadcast %mul3A_172 : f32 to vector<2048x256xf32>
      %mul3A_174 = arith.mulf %mul3A_173, %tanh3A_170 : vector<2048x256xf32>
      %add3A_175 = arith.constant 1.250000e+00 : f32
      %add3A_176 = vector.broadcast %add3A_175 : f32 to vector<2048x256xf32>
      %add3A_177 = arith.addf %mul3A_174, %add3A_176 : vector<2048x256xf32>
      %sub3A_178 = arith.subf %add3A_169, %add3A_177 : vector<2048x256xf32>
      %add3A_179 = arith.addf %sub3A_178, %mul3A_86 : vector<2048x256xf32>
      %tanh3A_180 = math.tanh %add3A_179 : vector<2048x256xf32>
      %add3A_181 = arith.addf %add3A_171, %tanh3A_180 : vector<2048x256xf32>
      %mul3A_182 = arith.constant 1.250000e+00 : f32
      %mul3A_183 = vector.broadcast %mul3A_182 : f32 to vector<2048x256xf32>
      %mul3A_184 = arith.mulf %mul3A_183, %tanh3A_180 : vector<2048x256xf32>
      %add3A_185 = arith.constant 1.250000e+00 : f32
      %add3A_186 = vector.broadcast %add3A_185 : f32 to vector<2048x256xf32>
      %add3A_187 = arith.addf %mul3A_184, %add3A_186 : vector<2048x256xf32>
      %sub3A_188 = arith.subf %add3A_179, %add3A_187 : vector<2048x256xf32>
      %add3A_189 = arith.addf %sub3A_188, %mul3A_86 : vector<2048x256xf32>
      %tanh3A_190 = math.tanh %add3A_189 : vector<2048x256xf32>
      %add3A_191 = arith.addf %add3A_181, %tanh3A_190 : vector<2048x256xf32>
      %mul3A_192 = arith.constant 1.250000e+00 : f32
      %mul3A_193 = vector.broadcast %mul3A_192 : f32 to vector<2048x256xf32>
      %mul3A_194 = arith.mulf %mul3A_193, %tanh3A_190 : vector<2048x256xf32>
      %add3A_195 = arith.constant 1.250000e+00 : f32
      %add3A_196 = vector.broadcast %add3A_195 : f32 to vector<2048x256xf32>
      %add3A_197 = arith.addf %mul3A_194, %add3A_196 : vector<2048x256xf32>
      %sub3A_198 = arith.subf %add3A_189, %add3A_197 : vector<2048x256xf32>
      %add3A_199 = arith.addf %sub3A_198, %mul3A_86 : vector<2048x256xf32>
      %tanh3A_200 = math.tanh %add3A_199 : vector<2048x256xf32>
      %add3A_201 = arith.addf %add3A_191, %tanh3A_200 : vector<2048x256xf32>
      %mul3A_202 = arith.constant 1.250000e+00 : f32
      %mul3A_203 = vector.broadcast %mul3A_202 : f32 to vector<2048x256xf32>
      %mul3A_204 = arith.mulf %mul3A_203, %tanh3A_200 : vector<2048x256xf32>
      %add3A_205 = arith.constant 1.250000e+00 : f32
      %add3A_206 = vector.broadcast %add3A_205 : f32 to vector<2048x256xf32>
      %add3A_207 = arith.addf %mul3A_204, %add3A_206 : vector<2048x256xf32>
      %sub3A_208 = arith.subf %add3A_199, %add3A_207 : vector<2048x256xf32>
      %add3A_209 = arith.addf %sub3A_208, %mul3A_86 : vector<2048x256xf32>
      %tanh3A_210 = math.tanh %add3A_209 : vector<2048x256xf32>
      %add3A_211 = arith.addf %add3A_201, %tanh3A_210 : vector<2048x256xf32>
      %mul3A_212 = arith.constant 1.250000e+00 : f32
      %mul3A_213 = vector.broadcast %mul3A_212 : f32 to vector<2048x256xf32>
      %mul3A_214 = arith.mulf %mul3A_213, %tanh3A_210 : vector<2048x256xf32>
      %add3A_215 = arith.constant 1.250000e+00 : f32
      %add3A_216 = vector.broadcast %add3A_215 : f32 to vector<2048x256xf32>
      %add3A_217 = arith.addf %mul3A_214, %add3A_216 : vector<2048x256xf32>
      %sub3A_218 = arith.subf %add3A_209, %add3A_217 : vector<2048x256xf32>
      %add3A_219 = arith.addf %sub3A_218, %mul3A_86 : vector<2048x256xf32>
      %tanh3A_220 = math.tanh %add3A_219 : vector<2048x256xf32>
      %add3A_221 = arith.addf %add3A_211, %tanh3A_220 : vector<2048x256xf32>
      %mul3A_222 = arith.constant 1.250000e+00 : f32
      %mul3A_223 = vector.broadcast %mul3A_222 : f32 to vector<2048x256xf32>
      %mul3A_224 = arith.mulf %mul3A_223, %tanh3A_220 : vector<2048x256xf32>
      %add3A_225 = arith.constant 1.250000e+00 : f32
      %add3A_226 = vector.broadcast %add3A_225 : f32 to vector<2048x256xf32>
      %add3A_227 = arith.addf %mul3A_224, %add3A_226 : vector<2048x256xf32>
      %sub3A_228 = arith.subf %add3A_219, %add3A_227 : vector<2048x256xf32>
      %add3A_229 = arith.addf %sub3A_228, %mul3A_86 : vector<2048x256xf32>
      %tanh3A_230 = math.tanh %add3A_229 : vector<2048x256xf32>
      %add3A_231 = arith.addf %add3A_221, %tanh3A_230 : vector<2048x256xf32>
      %mul3A_232 = arith.constant 1.250000e+00 : f32
      %mul3A_233 = vector.broadcast %mul3A_232 : f32 to vector<2048x256xf32>
      %mul3A_234 = arith.mulf %mul3A_233, %tanh3A_230 : vector<2048x256xf32>
      %add3A_235 = arith.constant 1.250000e+00 : f32
      %add3A_236 = vector.broadcast %add3A_235 : f32 to vector<2048x256xf32>
      %add3A_237 = arith.addf %mul3A_234, %add3A_236 : vector<2048x256xf32>
      %sub3A_238 = arith.subf %add3A_229, %add3A_237 : vector<2048x256xf32>
      %add3A_239 = arith.addf %sub3A_238, %mul3A_86 : vector<2048x256xf32>
      %tanh3A_240 = math.tanh %add3A_239 : vector<2048x256xf32>
      %add3A_241 = arith.addf %add3A_231, %tanh3A_240 : vector<2048x256xf32>
      %mul3A_242 = arith.constant 3.125000e-02 : f32
      %mul3A_243 = vector.broadcast %mul3A_242 : f32 to vector<2048x256xf32>
      %mul3A_244 = arith.mulf %add3A_241, %mul3A_243 : vector<2048x256xf32>
      %add3A_245 = arith.constant 5.000000e-01 : f32
      %add3A_246 = vector.broadcast %add3A_245 : f32 to vector<2048x256xf32>
      %add3A_247 = arith.addf %mul3A_244, %add3A_246 : vector<2048x256xf32>
      %get3A_248 = arith.constant 0 : index
      %get3A_249 = arith.constant 0 : index
      %get3A_250 = vector.load %arg5[%get3A_248, %get3A_249] : memref<256x64xf32, #tpu.memory_space<vmem>>, vector<256x64xf32>
      %dot_general3A_251 = arith.constant dense<0.000000e+00> : vector<2048x64xf32>
      %dot_general3A_252 = tpu.matmul %add3A_247, %get3A_250, %dot_general3A_251 {dimension_numbers = #tpu.dot_dimension_numbers<[1], [0], [0], [1], [0, 0, 1, 1], [], []>, transpose_lhs_hint = false} : vector<2048x256xf32>, vector<256x64xf32>, vector<2048x64xf32> -> vector<2048x64xf32>
      %get3A_253 = arith.constant 0 : index
      %get3A_254 = arith.constant 0 : index
      %get3A_255 = vector.load %arg6[%get3A_253, %get3A_254] : memref<1x64xf32, #tpu.memory_space<vmem>>, vector<1x64xf32>
      %add3A_256 = vector.broadcast %get3A_255 : vector<1x64xf32> to vector<2048x64xf32>
      %add3A_257 = arith.addf %dot_general3A_252, %add3A_256 : vector<2048x64xf32>
      %get3A_258 = arith.constant 0 : index
      %get3A_259 = arith.constant 0 : index
      %get3A_260 = vector.load %arg7[%get3A_258, %get3A_259] : memref<64x64xf32, #tpu.memory_space<vmem>>, vector<64x64xf32>
      %dot_general3A_261 = arith.constant dense<0.000000e+00> : vector<2048x64xf32>
      %dot_general3A_262 = tpu.matmul %add3A_257, %get3A_260, %dot_general3A_261 {dimension_numbers = #tpu.dot_dimension_numbers<[1], [0], [0], [1], [0, 0, 1, 1], [], []>, transpose_lhs_hint = false} : vector<2048x64xf32>, vector<64x64xf32>, vector<2048x64xf32> -> vector<2048x64xf32>
      %get3A_263 = arith.constant 0 : index
      %get3A_264 = arith.constant 0 : index
      %get3A_265 = vector.load %arg8[%get3A_263, %get3A_264] : memref<1x64xf32, #tpu.memory_space<vmem>>, vector<1x64xf32>
      %add3A_266 = vector.broadcast %get3A_265 : vector<1x64xf32> to vector<2048x64xf32>
      %add3A_267 = arith.addf %dot_general3A_262, %add3A_266 : vector<2048x64xf32>
      %tanh3A_268 = math.tanh %add3A_267 : vector<2048x64xf32>
      %get3A_269 = arith.constant 0 : index
      %get3A_270 = arith.constant 0 : index
      %get3A_271 = vector.load %arg9[%get3A_269, %get3A_270] : memref<64x8xf32, #tpu.memory_space<vmem>>, vector<64x8xf32>
      %dot_general3A_272 = arith.constant dense<0.000000e+00> : vector<2048x8xf32>
      %dot_general3A_273 = tpu.matmul %tanh3A_268, %get3A_271, %dot_general3A_272 {dimension_numbers = #tpu.dot_dimension_numbers<[1], [0], [0], [1], [0, 0, 1, 1], [], []>, transpose_lhs_hint = false} : vector<2048x64xf32>, vector<64x8xf32>, vector<2048x8xf32> -> vector<2048x8xf32>
      %get3A_274 = arith.constant 0 : index
      %get3A_275 = arith.constant 0 : index
      %get3A_276 = vector.load %arg10[%get3A_274, %get3A_275] : memref<1x8xf32, #tpu.memory_space<vmem>>, vector<1x8xf32>
      %add3A_277 = vector.broadcast %get3A_276 : vector<1x8xf32> to vector<2048x8xf32>
      %add3A_278 = arith.addf %dot_general3A_273, %add3A_277 : vector<2048x8xf32>
      %mul3A_279 = vector.broadcast %select_n3A_68 : vector<2048x1xf32> to vector<2048x8xf32>
      %mul3A_280 = arith.mulf %add3A_278, %mul3A_279 : vector<2048x8xf32>
      %reduce_max3A_281 = arith.constant dense<0xFF800000> : vector<2048xf32>
      %reduce_max3A_282 = vector.multi_reduction <maximumf>, %mul3A_280, %reduce_max3A_281 [1] : vector<2048x8xf32> to vector<2048xf32>
      %broadcast_in_dim3A_283 = vector.shape_cast %reduce_max3A_282 : vector<2048xf32> to vector<2048x1xf32>
      %sub3A_284 = vector.broadcast %broadcast_in_dim3A_283 : vector<2048x1xf32> to vector<2048x8xf32>
      %sub3A_285 = arith.subf %mul3A_280, %sub3A_284 : vector<2048x8xf32>
      %exp3A = math.exp %sub3A_285 : vector<2048x8xf32>
      %reduce_sum3A = arith.constant dense<0.000000e+00> : vector<2048xf32>
      %reduce_sum3A_286 = vector.multi_reduction <add>, %exp3A, %reduce_sum3A [1] : vector<2048x8xf32> to vector<2048xf32>
      %broadcast_in_dim3A_287 = vector.shape_cast %reduce_sum3A_286 : vector<2048xf32> to vector<2048x1xf32>
      %div3A = vector.broadcast %broadcast_in_dim3A_287 : vector<2048x1xf32> to vector<2048x8xf32>
      %div3A_288 = arith.divf %exp3A, %div3A : vector<2048x8xf32>
      %iota3A_289 = tpu.iota {dimensions = array<i32: 1>} : vector<2048x8xi32>
      %reduce_max3A_290 = arith.constant dense<0xFF800000> : vector<2048xf32>
      %reduce_max3A_291 = vector.multi_reduction <maximumf>, %div3A_288, %reduce_max3A_290 [1] : vector<2048x8xf32> to vector<2048xf32>
      %broadcast_in_dim3A_292 = vector.shape_cast %reduce_max3A_291 : vector<2048xf32> to vector<2048x1xf32>
      %eq3A_293 = vector.broadcast %broadcast_in_dim3A_292 : vector<2048x1xf32> to vector<2048x8xf32>
      %eq3A_294 = arith.cmpf oeq, %div3A_288, %eq3A_293 : vector<2048x8xf32>
      %jit3A_295 = arith.constant 8 : i32
      %broadcast_in_dim3A_296 = vector.broadcast %jit3A_295 : i32 to vector<2048x8xi32>
      %select_n3A_297 = arith.select %eq3A_294, %iota3A_289, %broadcast_in_dim3A_296 : vector<2048x8xi1>, vector<2048x8xi32>
      %reduce_min3A_298 = arith.constant dense<2147483647> : vector<2048xi32>
      %reduce_min3A_299 = vector.multi_reduction <minsi>, %select_n3A_297, %reduce_min3A_298 [1] : vector<2048x8xi32> to vector<2048xi32>
      %broadcast_in_dim3A_300 = vector.shape_cast %reduce_min3A_299 : vector<2048xi32> to vector<2048x1xi32>
      %eq3A_301 = vector.broadcast %broadcast_in_dim3A_300 : vector<2048x1xi32> to vector<2048x8xi32>
      %eq3A_302 = arith.cmpi eq, %iota3A_289, %eq3A_301 : vector<2048x8xi32>
      %jit3A_303 = arith.constant -1.000000e+00 : f32
      %broadcast_in_dim3A_304 = vector.broadcast %jit3A_303 : f32 to vector<2048x8xf32>
      %select_n3A_305 = arith.select %eq3A_302, %broadcast_in_dim3A_304, %div3A_288 : vector<2048x8xi1>, vector<2048x8xf32>
      %reduce_max3A_306 = arith.constant dense<0xFF800000> : vector<2048xf32>
      %reduce_max3A_307 = vector.multi_reduction <maximumf>, %select_n3A_305, %reduce_max3A_306 [1] : vector<2048x8xf32> to vector<2048xf32>
      %broadcast_in_dim3A_308 = vector.shape_cast %reduce_max3A_307 : vector<2048xf32> to vector<2048x1xf32>
      %eq3A_309 = vector.broadcast %broadcast_in_dim3A_308 : vector<2048x1xf32> to vector<2048x8xf32>
      %eq3A_310 = arith.cmpf oeq, %div3A_288, %eq3A_309 : vector<2048x8xf32>
      %not3A_311 = arith.constant dense<true> : vector<2048x8xi1>
      %not3A_312 = arith.xori %eq3A_302, %not3A_311 : vector<2048x8xi1>
      %and3A_313 = arith.andi %eq3A_310, %not3A_312 : vector<2048x8xi1>
      %jit3A_314 = arith.constant 8 : i32
      %broadcast_in_dim3A_315 = vector.broadcast %jit3A_314 : i32 to vector<2048x8xi32>
      %select_n3A_316 = arith.select %and3A_313, %iota3A_289, %broadcast_in_dim3A_315 : vector<2048x8xi1>, vector<2048x8xi32>
      %reduce_min3A_317 = arith.constant dense<2147483647> : vector<2048xi32>
      %reduce_min3A_318 = vector.multi_reduction <minsi>, %select_n3A_316, %reduce_min3A_317 [1] : vector<2048x8xi32> to vector<2048xi32>
      %broadcast_in_dim3A_319 = vector.shape_cast %reduce_min3A_318 : vector<2048xi32> to vector<2048x1xi32>
      %add3A_320 = arith.addf %broadcast_in_dim3A_292, %broadcast_in_dim3A_308 : vector<2048x1xf32>
      %add3A_321 = arith.constant 9.99999971E-10 : f32
      %add3A_322 = vector.broadcast %add3A_321 : f32 to vector<2048x1xf32>
      %add3A_323 = arith.addf %add3A_320, %add3A_322 : vector<2048x1xf32>
      %div3A_324 = arith.divf %broadcast_in_dim3A_292, %add3A_323 : vector<2048x1xf32>
      %div3A_325 = arith.divf %broadcast_in_dim3A_308, %add3A_323 : vector<2048x1xf32>
      %broadcast_in_dim3A_326 = arith.constant 0.000000e+00 : f32
      %broadcast_in_dim3A_327 = vector.broadcast %broadcast_in_dim3A_326 : f32 to vector<2048x64xf32>
      %get3A_328 = arith.constant 0 : index
      %get3A_329 = arith.constant 0 : index
      %get3A_330 = arith.constant 0 : index
      %get3A_331 = vector.load %arg11[%get3A_328, %get3A_329, %get3A_330] : memref<8x64x128xf32, #tpu.memory_space<vmem>>, vector<1x64x128xf32>
      %get3A_332 = vector.shape_cast %get3A_331 : vector<1x64x128xf32> to vector<64x128xf32>
      %dot_general3A_333 = arith.constant dense<0.000000e+00> : vector<2048x128xf32>
      %dot_general3A_334 = tpu.matmul %add3A_257, %get3A_332, %dot_general3A_333 {dimension_numbers = #tpu.dot_dimension_numbers<[1], [0], [0], [1], [0, 0, 1, 1], [], []>, transpose_lhs_hint = false} : vector<2048x64xf32>, vector<64x128xf32>, vector<2048x128xf32> -> vector<2048x128xf32>
      %get3A_335 = arith.constant 0 : index
      %get3A_336 = arith.constant 0 : index
      %get3A_337 = arith.constant 0 : index
      %get3A_338 = vector.load %arg12[%get3A_335, %get3A_336, %get3A_337] : memref<8x1x128xf32, #tpu.memory_space<vmem>>, vector<1x1x128xf32>
      %get3A_339 = vector.shape_cast %get3A_338 : vector<1x1x128xf32> to vector<1x128xf32>
      %add3A_340 = vector.broadcast %get3A_339 : vector<1x128xf32> to vector<2048x128xf32>
      %add3A_341 = arith.addf %dot_general3A_334, %add3A_340 : vector<2048x128xf32>
      %max3A = arith.constant 0.000000e+00 : f32
      %max3A_342 = vector.broadcast %max3A : f32 to vector<2048x128xf32>
      %max3A_343 = arith.maximumf %add3A_341, %max3A_342 : vector<2048x128xf32>
      %get3A_344 = arith.constant 0 : index
      %get3A_345 = arith.constant 0 : index
      %get3A_346 = arith.constant 0 : index
      %get3A_347 = vector.load %arg13[%get3A_344, %get3A_345, %get3A_346] : memref<8x128x64xf32, #tpu.memory_space<vmem>>, vector<1x128x64xf32>
      %get3A_348 = vector.shape_cast %get3A_347 : vector<1x128x64xf32> to vector<128x64xf32>
      %dot_general3A_349 = arith.constant dense<0.000000e+00> : vector<2048x64xf32>
      %dot_general3A_350 = tpu.matmul %max3A_343, %get3A_348, %dot_general3A_349 {dimension_numbers = #tpu.dot_dimension_numbers<[1], [0], [0], [1], [0, 0, 1, 1], [], []>, transpose_lhs_hint = false} : vector<2048x128xf32>, vector<128x64xf32>, vector<2048x64xf32> -> vector<2048x64xf32>
      %get3A_351 = arith.constant 0 : index
      %get3A_352 = arith.constant 0 : index
      %get3A_353 = arith.constant 0 : index
      %get3A_354 = vector.load %arg14[%get3A_351, %get3A_352, %get3A_353] : memref<8x1x64xf32, #tpu.memory_space<vmem>>, vector<1x1x64xf32>
      %get3A_355 = vector.shape_cast %get3A_354 : vector<1x1x64xf32> to vector<1x64xf32>
      %add3A_356 = vector.broadcast %get3A_355 : vector<1x64xf32> to vector<2048x64xf32>
      %add3A_357 = arith.addf %dot_general3A_350, %add3A_356 : vector<2048x64xf32>
      %eq3A_358 = arith.constant 0 : i32
      %eq3A_359 = vector.broadcast %eq3A_358 : i32 to vector<2048x1xi32>
      %eq3A_360 = arith.cmpi eq, %broadcast_in_dim3A_300, %eq3A_359 : vector<2048x1xi32>
      %convert_element_type3A_361 = arith.extui %eq3A_360 : vector<2048x1xi1> to vector<2048x1xi32>
      %convert_element_type3A_362 = arith.sitofp %convert_element_type3A_361 : vector<2048x1xi32> to vector<2048x1xf32>
      %mul3A_363 = arith.mulf %div3A_324, %convert_element_type3A_362 : vector<2048x1xf32>
      %eq3A_364 = arith.constant 0 : i32
      %eq3A_365 = vector.broadcast %eq3A_364 : i32 to vector<2048x1xi32>
      %eq3A_366 = arith.cmpi eq, %broadcast_in_dim3A_319, %eq3A_365 : vector<2048x1xi32>
      %convert_element_type3A_367 = arith.extui %eq3A_366 : vector<2048x1xi1> to vector<2048x1xi32>
      %convert_element_type3A_368 = arith.sitofp %convert_element_type3A_367 : vector<2048x1xi32> to vector<2048x1xf32>
      %mul3A_369 = arith.mulf %div3A_325, %convert_element_type3A_368 : vector<2048x1xf32>
      %add3A_370 = arith.addf %mul3A_363, %mul3A_369 : vector<2048x1xf32>
      %mul3A_371 = vector.broadcast %add3A_370 : vector<2048x1xf32> to vector<2048x64xf32>
      %mul3A_372 = arith.mulf %add3A_357, %mul3A_371 : vector<2048x64xf32>
      %add3A_373 = arith.addf %broadcast_in_dim3A_327, %mul3A_372 : vector<2048x64xf32>
      %get3A_374 = arith.constant 1 : index
      %get3A_375 = arith.constant 0 : index
      %get3A_376 = arith.constant 0 : index
      %get3A_377 = vector.load %arg11[%get3A_374, %get3A_375, %get3A_376] : memref<8x64x128xf32, #tpu.memory_space<vmem>>, vector<1x64x128xf32>
      %get3A_378 = vector.shape_cast %get3A_377 : vector<1x64x128xf32> to vector<64x128xf32>
      %dot_general3A_379 = arith.constant dense<0.000000e+00> : vector<2048x128xf32>
      %dot_general3A_380 = tpu.matmul %add3A_257, %get3A_378, %dot_general3A_379 {dimension_numbers = #tpu.dot_dimension_numbers<[1], [0], [0], [1], [0, 0, 1, 1], [], []>, transpose_lhs_hint = false} : vector<2048x64xf32>, vector<64x128xf32>, vector<2048x128xf32> -> vector<2048x128xf32>
      %get3A_381 = arith.constant 1 : index
      %get3A_382 = arith.constant 0 : index
      %get3A_383 = arith.constant 0 : index
      %get3A_384 = vector.load %arg12[%get3A_381, %get3A_382, %get3A_383] : memref<8x1x128xf32, #tpu.memory_space<vmem>>, vector<1x1x128xf32>
      %get3A_385 = vector.shape_cast %get3A_384 : vector<1x1x128xf32> to vector<1x128xf32>
      %add3A_386 = vector.broadcast %get3A_385 : vector<1x128xf32> to vector<2048x128xf32>
      %add3A_387 = arith.addf %dot_general3A_380, %add3A_386 : vector<2048x128xf32>
      %max3A_388 = arith.constant 0.000000e+00 : f32
      %max3A_389 = vector.broadcast %max3A_388 : f32 to vector<2048x128xf32>
      %max3A_390 = arith.maximumf %add3A_387, %max3A_389 : vector<2048x128xf32>
      %get3A_391 = arith.constant 1 : index
      %get3A_392 = arith.constant 0 : index
      %get3A_393 = arith.constant 0 : index
      %get3A_394 = vector.load %arg13[%get3A_391, %get3A_392, %get3A_393] : memref<8x128x64xf32, #tpu.memory_space<vmem>>, vector<1x128x64xf32>
      %get3A_395 = vector.shape_cast %get3A_394 : vector<1x128x64xf32> to vector<128x64xf32>
      %dot_general3A_396 = arith.constant dense<0.000000e+00> : vector<2048x64xf32>
      %dot_general3A_397 = tpu.matmul %max3A_390, %get3A_395, %dot_general3A_396 {dimension_numbers = #tpu.dot_dimension_numbers<[1], [0], [0], [1], [0, 0, 1, 1], [], []>, transpose_lhs_hint = false} : vector<2048x128xf32>, vector<128x64xf32>, vector<2048x64xf32> -> vector<2048x64xf32>
      %get3A_398 = arith.constant 1 : index
      %get3A_399 = arith.constant 0 : index
      %get3A_400 = arith.constant 0 : index
      %get3A_401 = vector.load %arg14[%get3A_398, %get3A_399, %get3A_400] : memref<8x1x64xf32, #tpu.memory_space<vmem>>, vector<1x1x64xf32>
      %get3A_402 = vector.shape_cast %get3A_401 : vector<1x1x64xf32> to vector<1x64xf32>
      %add3A_403 = vector.broadcast %get3A_402 : vector<1x64xf32> to vector<2048x64xf32>
      %add3A_404 = arith.addf %dot_general3A_397, %add3A_403 : vector<2048x64xf32>
      %eq3A_405 = arith.constant 1 : i32
      %eq3A_406 = vector.broadcast %eq3A_405 : i32 to vector<2048x1xi32>
      %eq3A_407 = arith.cmpi eq, %broadcast_in_dim3A_300, %eq3A_406 : vector<2048x1xi32>
      %convert_element_type3A_408 = arith.extui %eq3A_407 : vector<2048x1xi1> to vector<2048x1xi32>
      %convert_element_type3A_409 = arith.sitofp %convert_element_type3A_408 : vector<2048x1xi32> to vector<2048x1xf32>
      %mul3A_410 = arith.mulf %div3A_324, %convert_element_type3A_409 : vector<2048x1xf32>
      %eq3A_411 = arith.constant 1 : i32
      %eq3A_412 = vector.broadcast %eq3A_411 : i32 to vector<2048x1xi32>
      %eq3A_413 = arith.cmpi eq, %broadcast_in_dim3A_319, %eq3A_412 : vector<2048x1xi32>
      %convert_element_type3A_414 = arith.extui %eq3A_413 : vector<2048x1xi1> to vector<2048x1xi32>
      %convert_element_type3A_415 = arith.sitofp %convert_element_type3A_414 : vector<2048x1xi32> to vector<2048x1xf32>
      %mul3A_416 = arith.mulf %div3A_325, %convert_element_type3A_415 : vector<2048x1xf32>
      %add3A_417 = arith.addf %mul3A_410, %mul3A_416 : vector<2048x1xf32>
      %mul3A_418 = vector.broadcast %add3A_417 : vector<2048x1xf32> to vector<2048x64xf32>
      %mul3A_419 = arith.mulf %add3A_404, %mul3A_418 : vector<2048x64xf32>
      %add3A_420 = arith.addf %add3A_373, %mul3A_419 : vector<2048x64xf32>
      %get3A_421 = arith.constant 2 : index
      %get3A_422 = arith.constant 0 : index
      %get3A_423 = arith.constant 0 : index
      %get3A_424 = vector.load %arg11[%get3A_421, %get3A_422, %get3A_423] : memref<8x64x128xf32, #tpu.memory_space<vmem>>, vector<1x64x128xf32>
      %get3A_425 = vector.shape_cast %get3A_424 : vector<1x64x128xf32> to vector<64x128xf32>
      %dot_general3A_426 = arith.constant dense<0.000000e+00> : vector<2048x128xf32>
      %dot_general3A_427 = tpu.matmul %add3A_257, %get3A_425, %dot_general3A_426 {dimension_numbers = #tpu.dot_dimension_numbers<[1], [0], [0], [1], [0, 0, 1, 1], [], []>, transpose_lhs_hint = false} : vector<2048x64xf32>, vector<64x128xf32>, vector<2048x128xf32> -> vector<2048x128xf32>
      %get3A_428 = arith.constant 2 : index
      %get3A_429 = arith.constant 0 : index
      %get3A_430 = arith.constant 0 : index
      %get3A_431 = vector.load %arg12[%get3A_428, %get3A_429, %get3A_430] : memref<8x1x128xf32, #tpu.memory_space<vmem>>, vector<1x1x128xf32>
      %get3A_432 = vector.shape_cast %get3A_431 : vector<1x1x128xf32> to vector<1x128xf32>
      %add3A_433 = vector.broadcast %get3A_432 : vector<1x128xf32> to vector<2048x128xf32>
      %add3A_434 = arith.addf %dot_general3A_427, %add3A_433 : vector<2048x128xf32>
      %max3A_435 = arith.constant 0.000000e+00 : f32
      %max3A_436 = vector.broadcast %max3A_435 : f32 to vector<2048x128xf32>
      %max3A_437 = arith.maximumf %add3A_434, %max3A_436 : vector<2048x128xf32>
      %get3A_438 = arith.constant 2 : index
      %get3A_439 = arith.constant 0 : index
      %get3A_440 = arith.constant 0 : index
      %get3A_441 = vector.load %arg13[%get3A_438, %get3A_439, %get3A_440] : memref<8x128x64xf32, #tpu.memory_space<vmem>>, vector<1x128x64xf32>
      %get3A_442 = vector.shape_cast %get3A_441 : vector<1x128x64xf32> to vector<128x64xf32>
      %dot_general3A_443 = arith.constant dense<0.000000e+00> : vector<2048x64xf32>
      %dot_general3A_444 = tpu.matmul %max3A_437, %get3A_442, %dot_general3A_443 {dimension_numbers = #tpu.dot_dimension_numbers<[1], [0], [0], [1], [0, 0, 1, 1], [], []>, transpose_lhs_hint = false} : vector<2048x128xf32>, vector<128x64xf32>, vector<2048x64xf32> -> vector<2048x64xf32>
      %get3A_445 = arith.constant 2 : index
      %get3A_446 = arith.constant 0 : index
      %get3A_447 = arith.constant 0 : index
      %get3A_448 = vector.load %arg14[%get3A_445, %get3A_446, %get3A_447] : memref<8x1x64xf32, #tpu.memory_space<vmem>>, vector<1x1x64xf32>
      %get3A_449 = vector.shape_cast %get3A_448 : vector<1x1x64xf32> to vector<1x64xf32>
      %add3A_450 = vector.broadcast %get3A_449 : vector<1x64xf32> to vector<2048x64xf32>
      %add3A_451 = arith.addf %dot_general3A_444, %add3A_450 : vector<2048x64xf32>
      %eq3A_452 = arith.constant 2 : i32
      %eq3A_453 = vector.broadcast %eq3A_452 : i32 to vector<2048x1xi32>
      %eq3A_454 = arith.cmpi eq, %broadcast_in_dim3A_300, %eq3A_453 : vector<2048x1xi32>
      %convert_element_type3A_455 = arith.extui %eq3A_454 : vector<2048x1xi1> to vector<2048x1xi32>
      %convert_element_type3A_456 = arith.sitofp %convert_element_type3A_455 : vector<2048x1xi32> to vector<2048x1xf32>
      %mul3A_457 = arith.mulf %div3A_324, %convert_element_type3A_456 : vector<2048x1xf32>
      %eq3A_458 = arith.constant 2 : i32
      %eq3A_459 = vector.broadcast %eq3A_458 : i32 to vector<2048x1xi32>
      %eq3A_460 = arith.cmpi eq, %broadcast_in_dim3A_319, %eq3A_459 : vector<2048x1xi32>
      %convert_element_type3A_461 = arith.extui %eq3A_460 : vector<2048x1xi1> to vector<2048x1xi32>
      %convert_element_type3A_462 = arith.sitofp %convert_element_type3A_461 : vector<2048x1xi32> to vector<2048x1xf32>
      %mul3A_463 = arith.mulf %div3A_325, %convert_element_type3A_462 : vector<2048x1xf32>
      %add3A_464 = arith.addf %mul3A_457, %mul3A_463 : vector<2048x1xf32>
      %mul3A_465 = vector.broadcast %add3A_464 : vector<2048x1xf32> to vector<2048x64xf32>
      %mul3A_466 = arith.mulf %add3A_451, %mul3A_465 : vector<2048x64xf32>
      %add3A_467 = arith.addf %add3A_420, %mul3A_466 : vector<2048x64xf32>
      %get3A_468 = arith.constant 3 : index
      %get3A_469 = arith.constant 0 : index
      %get3A_470 = arith.constant 0 : index
      %get3A_471 = vector.load %arg11[%get3A_468, %get3A_469, %get3A_470] : memref<8x64x128xf32, #tpu.memory_space<vmem>>, vector<1x64x128xf32>
      %get3A_472 = vector.shape_cast %get3A_471 : vector<1x64x128xf32> to vector<64x128xf32>
      %dot_general3A_473 = arith.constant dense<0.000000e+00> : vector<2048x128xf32>
      %dot_general3A_474 = tpu.matmul %add3A_257, %get3A_472, %dot_general3A_473 {dimension_numbers = #tpu.dot_dimension_numbers<[1], [0], [0], [1], [0, 0, 1, 1], [], []>, transpose_lhs_hint = false} : vector<2048x64xf32>, vector<64x128xf32>, vector<2048x128xf32> -> vector<2048x128xf32>
      %get3A_475 = arith.constant 3 : index
      %get3A_476 = arith.constant 0 : index
      %get3A_477 = arith.constant 0 : index
      %get3A_478 = vector.load %arg12[%get3A_475, %get3A_476, %get3A_477] : memref<8x1x128xf32, #tpu.memory_space<vmem>>, vector<1x1x128xf32>
      %get3A_479 = vector.shape_cast %get3A_478 : vector<1x1x128xf32> to vector<1x128xf32>
      %add3A_480 = vector.broadcast %get3A_479 : vector<1x128xf32> to vector<2048x128xf32>
      %add3A_481 = arith.addf %dot_general3A_474, %add3A_480 : vector<2048x128xf32>
      %max3A_482 = arith.constant 0.000000e+00 : f32
      %max3A_483 = vector.broadcast %max3A_482 : f32 to vector<2048x128xf32>
      %max3A_484 = arith.maximumf %add3A_481, %max3A_483 : vector<2048x128xf32>
      %get3A_485 = arith.constant 3 : index
      %get3A_486 = arith.constant 0 : index
      %get3A_487 = arith.constant 0 : index
      %get3A_488 = vector.load %arg13[%get3A_485, %get3A_486, %get3A_487] : memref<8x128x64xf32, #tpu.memory_space<vmem>>, vector<1x128x64xf32>
      %get3A_489 = vector.shape_cast %get3A_488 : vector<1x128x64xf32> to vector<128x64xf32>
      %dot_general3A_490 = arith.constant dense<0.000000e+00> : vector<2048x64xf32>
      %dot_general3A_491 = tpu.matmul %max3A_484, %get3A_489, %dot_general3A_490 {dimension_numbers = #tpu.dot_dimension_numbers<[1], [0], [0], [1], [0, 0, 1, 1], [], []>, transpose_lhs_hint = false} : vector<2048x128xf32>, vector<128x64xf32>, vector<2048x64xf32> -> vector<2048x64xf32>
      %get3A_492 = arith.constant 3 : index
      %get3A_493 = arith.constant 0 : index
      %get3A_494 = arith.constant 0 : index
      %get3A_495 = vector.load %arg14[%get3A_492, %get3A_493, %get3A_494] : memref<8x1x64xf32, #tpu.memory_space<vmem>>, vector<1x1x64xf32>
      %get3A_496 = vector.shape_cast %get3A_495 : vector<1x1x64xf32> to vector<1x64xf32>
      %add3A_497 = vector.broadcast %get3A_496 : vector<1x64xf32> to vector<2048x64xf32>
      %add3A_498 = arith.addf %dot_general3A_491, %add3A_497 : vector<2048x64xf32>
      %eq3A_499 = arith.constant 3 : i32
      %eq3A_500 = vector.broadcast %eq3A_499 : i32 to vector<2048x1xi32>
      %eq3A_501 = arith.cmpi eq, %broadcast_in_dim3A_300, %eq3A_500 : vector<2048x1xi32>
      %convert_element_type3A_502 = arith.extui %eq3A_501 : vector<2048x1xi1> to vector<2048x1xi32>
      %convert_element_type3A_503 = arith.sitofp %convert_element_type3A_502 : vector<2048x1xi32> to vector<2048x1xf32>
      %mul3A_504 = arith.mulf %div3A_324, %convert_element_type3A_503 : vector<2048x1xf32>
      %eq3A_505 = arith.constant 3 : i32
      %eq3A_506 = vector.broadcast %eq3A_505 : i32 to vector<2048x1xi32>
      %eq3A_507 = arith.cmpi eq, %broadcast_in_dim3A_319, %eq3A_506 : vector<2048x1xi32>
      %convert_element_type3A_508 = arith.extui %eq3A_507 : vector<2048x1xi1> to vector<2048x1xi32>
      %convert_element_type3A_509 = arith.sitofp %convert_element_type3A_508 : vector<2048x1xi32> to vector<2048x1xf32>
      %mul3A_510 = arith.mulf %div3A_325, %convert_element_type3A_509 : vector<2048x1xf32>
      %add3A_511 = arith.addf %mul3A_504, %mul3A_510 : vector<2048x1xf32>
      %mul3A_512 = vector.broadcast %add3A_511 : vector<2048x1xf32> to vector<2048x64xf32>
      %mul3A_513 = arith.mulf %add3A_498, %mul3A_512 : vector<2048x64xf32>
      %add3A_514 = arith.addf %add3A_467, %mul3A_513 : vector<2048x64xf32>
      %get3A_515 = arith.constant 4 : index
      %get3A_516 = arith.constant 0 : index
      %get3A_517 = arith.constant 0 : index
      %get3A_518 = vector.load %arg11[%get3A_515, %get3A_516, %get3A_517] : memref<8x64x128xf32, #tpu.memory_space<vmem>>, vector<1x64x128xf32>
      %get3A_519 = vector.shape_cast %get3A_518 : vector<1x64x128xf32> to vector<64x128xf32>
      %dot_general3A_520 = arith.constant dense<0.000000e+00> : vector<2048x128xf32>
      %dot_general3A_521 = tpu.matmul %add3A_257, %get3A_519, %dot_general3A_520 {dimension_numbers = #tpu.dot_dimension_numbers<[1], [0], [0], [1], [0, 0, 1, 1], [], []>, transpose_lhs_hint = false} : vector<2048x64xf32>, vector<64x128xf32>, vector<2048x128xf32> -> vector<2048x128xf32>
      %get3A_522 = arith.constant 4 : index
      %get3A_523 = arith.constant 0 : index
      %get3A_524 = arith.constant 0 : index
      %get3A_525 = vector.load %arg12[%get3A_522, %get3A_523, %get3A_524] : memref<8x1x128xf32, #tpu.memory_space<vmem>>, vector<1x1x128xf32>
      %get3A_526 = vector.shape_cast %get3A_525 : vector<1x1x128xf32> to vector<1x128xf32>
      %add3A_527 = vector.broadcast %get3A_526 : vector<1x128xf32> to vector<2048x128xf32>
      %add3A_528 = arith.addf %dot_general3A_521, %add3A_527 : vector<2048x128xf32>
      %max3A_529 = arith.constant 0.000000e+00 : f32
      %max3A_530 = vector.broadcast %max3A_529 : f32 to vector<2048x128xf32>
      %max3A_531 = arith.maximumf %add3A_528, %max3A_530 : vector<2048x128xf32>
      %get3A_532 = arith.constant 4 : index
      %get3A_533 = arith.constant 0 : index
      %get3A_534 = arith.constant 0 : index
      %get3A_535 = vector.load %arg13[%get3A_532, %get3A_533, %get3A_534] : memref<8x128x64xf32, #tpu.memory_space<vmem>>, vector<1x128x64xf32>
      %get3A_536 = vector.shape_cast %get3A_535 : vector<1x128x64xf32> to vector<128x64xf32>
      %dot_general3A_537 = arith.constant dense<0.000000e+00> : vector<2048x64xf32>
      %dot_general3A_538 = tpu.matmul %max3A_531, %get3A_536, %dot_general3A_537 {dimension_numbers = #tpu.dot_dimension_numbers<[1], [0], [0], [1], [0, 0, 1, 1], [], []>, transpose_lhs_hint = false} : vector<2048x128xf32>, vector<128x64xf32>, vector<2048x64xf32> -> vector<2048x64xf32>
      %get3A_539 = arith.constant 4 : index
      %get3A_540 = arith.constant 0 : index
      %get3A_541 = arith.constant 0 : index
      %get3A_542 = vector.load %arg14[%get3A_539, %get3A_540, %get3A_541] : memref<8x1x64xf32, #tpu.memory_space<vmem>>, vector<1x1x64xf32>
      %get3A_543 = vector.shape_cast %get3A_542 : vector<1x1x64xf32> to vector<1x64xf32>
      %add3A_544 = vector.broadcast %get3A_543 : vector<1x64xf32> to vector<2048x64xf32>
      %add3A_545 = arith.addf %dot_general3A_538, %add3A_544 : vector<2048x64xf32>
      %eq3A_546 = arith.constant 4 : i32
      %eq3A_547 = vector.broadcast %eq3A_546 : i32 to vector<2048x1xi32>
      %eq3A_548 = arith.cmpi eq, %broadcast_in_dim3A_300, %eq3A_547 : vector<2048x1xi32>
      %convert_element_type3A_549 = arith.extui %eq3A_548 : vector<2048x1xi1> to vector<2048x1xi32>
      %convert_element_type3A_550 = arith.sitofp %convert_element_type3A_549 : vector<2048x1xi32> to vector<2048x1xf32>
      %mul3A_551 = arith.mulf %div3A_324, %convert_element_type3A_550 : vector<2048x1xf32>
      %eq3A_552 = arith.constant 4 : i32
      %eq3A_553 = vector.broadcast %eq3A_552 : i32 to vector<2048x1xi32>
      %eq3A_554 = arith.cmpi eq, %broadcast_in_dim3A_319, %eq3A_553 : vector<2048x1xi32>
      %convert_element_type3A_555 = arith.extui %eq3A_554 : vector<2048x1xi1> to vector<2048x1xi32>
      %convert_element_type3A_556 = arith.sitofp %convert_element_type3A_555 : vector<2048x1xi32> to vector<2048x1xf32>
      %mul3A_557 = arith.mulf %div3A_325, %convert_element_type3A_556 : vector<2048x1xf32>
      %add3A_558 = arith.addf %mul3A_551, %mul3A_557 : vector<2048x1xf32>
      %mul3A_559 = vector.broadcast %add3A_558 : vector<2048x1xf32> to vector<2048x64xf32>
      %mul3A_560 = arith.mulf %add3A_545, %mul3A_559 : vector<2048x64xf32>
      %add3A_561 = arith.addf %add3A_514, %mul3A_560 : vector<2048x64xf32>
      %get3A_562 = arith.constant 5 : index
      %get3A_563 = arith.constant 0 : index
      %get3A_564 = arith.constant 0 : index
      %get3A_565 = vector.load %arg11[%get3A_562, %get3A_563, %get3A_564] : memref<8x64x128xf32, #tpu.memory_space<vmem>>, vector<1x64x128xf32>
      %get3A_566 = vector.shape_cast %get3A_565 : vector<1x64x128xf32> to vector<64x128xf32>
      %dot_general3A_567 = arith.constant dense<0.000000e+00> : vector<2048x128xf32>
      %dot_general3A_568 = tpu.matmul %add3A_257, %get3A_566, %dot_general3A_567 {dimension_numbers = #tpu.dot_dimension_numbers<[1], [0], [0], [1], [0, 0, 1, 1], [], []>, transpose_lhs_hint = false} : vector<2048x64xf32>, vector<64x128xf32>, vector<2048x128xf32> -> vector<2048x128xf32>
      %get3A_569 = arith.constant 5 : index
      %get3A_570 = arith.constant 0 : index
      %get3A_571 = arith.constant 0 : index
      %get3A_572 = vector.load %arg12[%get3A_569, %get3A_570, %get3A_571] : memref<8x1x128xf32, #tpu.memory_space<vmem>>, vector<1x1x128xf32>
      %get3A_573 = vector.shape_cast %get3A_572 : vector<1x1x128xf32> to vector<1x128xf32>
      %add3A_574 = vector.broadcast %get3A_573 : vector<1x128xf32> to vector<2048x128xf32>
      %add3A_575 = arith.addf %dot_general3A_568, %add3A_574 : vector<2048x128xf32>
      %max3A_576 = arith.constant 0.000000e+00 : f32
      %max3A_577 = vector.broadcast %max3A_576 : f32 to vector<2048x128xf32>
      %max3A_578 = arith.maximumf %add3A_575, %max3A_577 : vector<2048x128xf32>
      %get3A_579 = arith.constant 5 : index
      %get3A_580 = arith.constant 0 : index
      %get3A_581 = arith.constant 0 : index
      %get3A_582 = vector.load %arg13[%get3A_579, %get3A_580, %get3A_581] : memref<8x128x64xf32, #tpu.memory_space<vmem>>, vector<1x128x64xf32>
      %get3A_583 = vector.shape_cast %get3A_582 : vector<1x128x64xf32> to vector<128x64xf32>
      %dot_general3A_584 = arith.constant dense<0.000000e+00> : vector<2048x64xf32>
      %dot_general3A_585 = tpu.matmul %max3A_578, %get3A_583, %dot_general3A_584 {dimension_numbers = #tpu.dot_dimension_numbers<[1], [0], [0], [1], [0, 0, 1, 1], [], []>, transpose_lhs_hint = false} : vector<2048x128xf32>, vector<128x64xf32>, vector<2048x64xf32> -> vector<2048x64xf32>
      %get3A_586 = arith.constant 5 : index
      %get3A_587 = arith.constant 0 : index
      %get3A_588 = arith.constant 0 : index
      %get3A_589 = vector.load %arg14[%get3A_586, %get3A_587, %get3A_588] : memref<8x1x64xf32, #tpu.memory_space<vmem>>, vector<1x1x64xf32>
      %get3A_590 = vector.shape_cast %get3A_589 : vector<1x1x64xf32> to vector<1x64xf32>
      %add3A_591 = vector.broadcast %get3A_590 : vector<1x64xf32> to vector<2048x64xf32>
      %add3A_592 = arith.addf %dot_general3A_585, %add3A_591 : vector<2048x64xf32>
      %eq3A_593 = arith.constant 5 : i32
      %eq3A_594 = vector.broadcast %eq3A_593 : i32 to vector<2048x1xi32>
      %eq3A_595 = arith.cmpi eq, %broadcast_in_dim3A_300, %eq3A_594 : vector<2048x1xi32>
      %convert_element_type3A_596 = arith.extui %eq3A_595 : vector<2048x1xi1> to vector<2048x1xi32>
      %convert_element_type3A_597 = arith.sitofp %convert_element_type3A_596 : vector<2048x1xi32> to vector<2048x1xf32>
      %mul3A_598 = arith.mulf %div3A_324, %convert_element_type3A_597 : vector<2048x1xf32>
      %eq3A_599 = arith.constant 5 : i32
      %eq3A_600 = vector.broadcast %eq3A_599 : i32 to vector<2048x1xi32>
      %eq3A_601 = arith.cmpi eq, %broadcast_in_dim3A_319, %eq3A_600 : vector<2048x1xi32>
      %convert_element_type3A_602 = arith.extui %eq3A_601 : vector<2048x1xi1> to vector<2048x1xi32>
      %convert_element_type3A_603 = arith.sitofp %convert_element_type3A_602 : vector<2048x1xi32> to vector<2048x1xf32>
      %mul3A_604 = arith.mulf %div3A_325, %convert_element_type3A_603 : vector<2048x1xf32>
      %add3A_605 = arith.addf %mul3A_598, %mul3A_604 : vector<2048x1xf32>
      %mul3A_606 = vector.broadcast %add3A_605 : vector<2048x1xf32> to vector<2048x64xf32>
      %mul3A_607 = arith.mulf %add3A_592, %mul3A_606 : vector<2048x64xf32>
      %add3A_608 = arith.addf %add3A_561, %mul3A_607 : vector<2048x64xf32>
      %get3A_609 = arith.constant 6 : index
      %get3A_610 = arith.constant 0 : index
      %get3A_611 = arith.constant 0 : index
      %get3A_612 = vector.load %arg11[%get3A_609, %get3A_610, %get3A_611] : memref<8x64x128xf32, #tpu.memory_space<vmem>>, vector<1x64x128xf32>
      %get3A_613 = vector.shape_cast %get3A_612 : vector<1x64x128xf32> to vector<64x128xf32>
      %dot_general3A_614 = arith.constant dense<0.000000e+00> : vector<2048x128xf32>
      %dot_general3A_615 = tpu.matmul %add3A_257, %get3A_613, %dot_general3A_614 {dimension_numbers = #tpu.dot_dimension_numbers<[1], [0], [0], [1], [0, 0, 1, 1], [], []>, transpose_lhs_hint = false} : vector<2048x64xf32>, vector<64x128xf32>, vector<2048x128xf32> -> vector<2048x128xf32>
      %get3A_616 = arith.constant 6 : index
      %get3A_617 = arith.constant 0 : index
      %get3A_618 = arith.constant 0 : index
      %get3A_619 = vector.load %arg12[%get3A_616, %get3A_617, %get3A_618] : memref<8x1x128xf32, #tpu.memory_space<vmem>>, vector<1x1x128xf32>
      %get3A_620 = vector.shape_cast %get3A_619 : vector<1x1x128xf32> to vector<1x128xf32>
      %add3A_621 = vector.broadcast %get3A_620 : vector<1x128xf32> to vector<2048x128xf32>
      %add3A_622 = arith.addf %dot_general3A_615, %add3A_621 : vector<2048x128xf32>
      %max3A_623 = arith.constant 0.000000e+00 : f32
      %max3A_624 = vector.broadcast %max3A_623 : f32 to vector<2048x128xf32>
      %max3A_625 = arith.maximumf %add3A_622, %max3A_624 : vector<2048x128xf32>
      %get3A_626 = arith.constant 6 : index
      %get3A_627 = arith.constant 0 : index
      %get3A_628 = arith.constant 0 : index
      %get3A_629 = vector.load %arg13[%get3A_626, %get3A_627, %get3A_628] : memref<8x128x64xf32, #tpu.memory_space<vmem>>, vector<1x128x64xf32>
      %get3A_630 = vector.shape_cast %get3A_629 : vector<1x128x64xf32> to vector<128x64xf32>
      %dot_general3A_631 = arith.constant dense<0.000000e+00> : vector<2048x64xf32>
      %dot_general3A_632 = tpu.matmul %max3A_625, %get3A_630, %dot_general3A_631 {dimension_numbers = #tpu.dot_dimension_numbers<[1], [0], [0], [1], [0, 0, 1, 1], [], []>, transpose_lhs_hint = false} : vector<2048x128xf32>, vector<128x64xf32>, vector<2048x64xf32> -> vector<2048x64xf32>
      %get3A_633 = arith.constant 6 : index
      %get3A_634 = arith.constant 0 : index
      %get3A_635 = arith.constant 0 : index
      %get3A_636 = vector.load %arg14[%get3A_633, %get3A_634, %get3A_635] : memref<8x1x64xf32, #tpu.memory_space<vmem>>, vector<1x1x64xf32>
      %get3A_637 = vector.shape_cast %get3A_636 : vector<1x1x64xf32> to vector<1x64xf32>
      %add3A_638 = vector.broadcast %get3A_637 : vector<1x64xf32> to vector<2048x64xf32>
      %add3A_639 = arith.addf %dot_general3A_632, %add3A_638 : vector<2048x64xf32>
      %eq3A_640 = arith.constant 6 : i32
      %eq3A_641 = vector.broadcast %eq3A_640 : i32 to vector<2048x1xi32>
      %eq3A_642 = arith.cmpi eq, %broadcast_in_dim3A_300, %eq3A_641 : vector<2048x1xi32>
      %convert_element_type3A_643 = arith.extui %eq3A_642 : vector<2048x1xi1> to vector<2048x1xi32>
      %convert_element_type3A_644 = arith.sitofp %convert_element_type3A_643 : vector<2048x1xi32> to vector<2048x1xf32>
      %mul3A_645 = arith.mulf %div3A_324, %convert_element_type3A_644 : vector<2048x1xf32>
      %eq3A_646 = arith.constant 6 : i32
      %eq3A_647 = vector.broadcast %eq3A_646 : i32 to vector<2048x1xi32>
      %eq3A_648 = arith.cmpi eq, %broadcast_in_dim3A_319, %eq3A_647 : vector<2048x1xi32>
      %convert_element_type3A_649 = arith.extui %eq3A_648 : vector<2048x1xi1> to vector<2048x1xi32>
      %convert_element_type3A_650 = arith.sitofp %convert_element_type3A_649 : vector<2048x1xi32> to vector<2048x1xf32>
      %mul3A_651 = arith.mulf %div3A_325, %convert_element_type3A_650 : vector<2048x1xf32>
      %add3A_652 = arith.addf %mul3A_645, %mul3A_651 : vector<2048x1xf32>
      %mul3A_653 = vector.broadcast %add3A_652 : vector<2048x1xf32> to vector<2048x64xf32>
      %mul3A_654 = arith.mulf %add3A_639, %mul3A_653 : vector<2048x64xf32>
      %add3A_655 = arith.addf %add3A_608, %mul3A_654 : vector<2048x64xf32>
      %get3A_656 = arith.constant 7 : index
      %get3A_657 = arith.constant 0 : index
      %get3A_658 = arith.constant 0 : index
      %get3A_659 = vector.load %arg11[%get3A_656, %get3A_657, %get3A_658] : memref<8x64x128xf32, #tpu.memory_space<vmem>>, vector<1x64x128xf32>
      %get3A_660 = vector.shape_cast %get3A_659 : vector<1x64x128xf32> to vector<64x128xf32>
      %dot_general3A_661 = arith.constant dense<0.000000e+00> : vector<2048x128xf32>
      %dot_general3A_662 = tpu.matmul %add3A_257, %get3A_660, %dot_general3A_661 {dimension_numbers = #tpu.dot_dimension_numbers<[1], [0], [0], [1], [0, 0, 1, 1], [], []>, transpose_lhs_hint = false} : vector<2048x64xf32>, vector<64x128xf32>, vector<2048x128xf32> -> vector<2048x128xf32>
      %get3A_663 = arith.constant 7 : index
      %get3A_664 = arith.constant 0 : index
      %get3A_665 = arith.constant 0 : index
      %get3A_666 = vector.load %arg12[%get3A_663, %get3A_664, %get3A_665] : memref<8x1x128xf32, #tpu.memory_space<vmem>>, vector<1x1x128xf32>
      %get3A_667 = vector.shape_cast %get3A_666 : vector<1x1x128xf32> to vector<1x128xf32>
      %add3A_668 = vector.broadcast %get3A_667 : vector<1x128xf32> to vector<2048x128xf32>
      %add3A_669 = arith.addf %dot_general3A_662, %add3A_668 : vector<2048x128xf32>
      %max3A_670 = arith.constant 0.000000e+00 : f32
      %max3A_671 = vector.broadcast %max3A_670 : f32 to vector<2048x128xf32>
      %max3A_672 = arith.maximumf %add3A_669, %max3A_671 : vector<2048x128xf32>
      %get3A_673 = arith.constant 7 : index
      %get3A_674 = arith.constant 0 : index
      %get3A_675 = arith.constant 0 : index
      %get3A_676 = vector.load %arg13[%get3A_673, %get3A_674, %get3A_675] : memref<8x128x64xf32, #tpu.memory_space<vmem>>, vector<1x128x64xf32>
      %get3A_677 = vector.shape_cast %get3A_676 : vector<1x128x64xf32> to vector<128x64xf32>
      %dot_general3A_678 = arith.constant dense<0.000000e+00> : vector<2048x64xf32>
      %dot_general3A_679 = tpu.matmul %max3A_672, %get3A_677, %dot_general3A_678 {dimension_numbers = #tpu.dot_dimension_numbers<[1], [0], [0], [1], [0, 0, 1, 1], [], []>, transpose_lhs_hint = false} : vector<2048x128xf32>, vector<128x64xf32>, vector<2048x64xf32> -> vector<2048x64xf32>
      %get3A_680 = arith.constant 7 : index
      %get3A_681 = arith.constant 0 : index
      %get3A_682 = arith.constant 0 : index
      %get3A_683 = vector.load %arg14[%get3A_680, %get3A_681, %get3A_682] : memref<8x1x64xf32, #tpu.memory_space<vmem>>, vector<1x1x64xf32>
      %get3A_684 = vector.shape_cast %get3A_683 : vector<1x1x64xf32> to vector<1x64xf32>
      %add3A_685 = vector.broadcast %get3A_684 : vector<1x64xf32> to vector<2048x64xf32>
      %add3A_686 = arith.addf %dot_general3A_679, %add3A_685 : vector<2048x64xf32>
      %eq3A_687 = arith.constant 7 : i32
      %eq3A_688 = vector.broadcast %eq3A_687 : i32 to vector<2048x1xi32>
      %eq3A_689 = arith.cmpi eq, %broadcast_in_dim3A_300, %eq3A_688 : vector<2048x1xi32>
      %convert_element_type3A_690 = arith.extui %eq3A_689 : vector<2048x1xi1> to vector<2048x1xi32>
      %convert_element_type3A_691 = arith.sitofp %convert_element_type3A_690 : vector<2048x1xi32> to vector<2048x1xf32>
      %mul3A_692 = arith.mulf %div3A_324, %convert_element_type3A_691 : vector<2048x1xf32>
      %eq3A_693 = arith.constant 7 : i32
      %eq3A_694 = vector.broadcast %eq3A_693 : i32 to vector<2048x1xi32>
      %eq3A_695 = arith.cmpi eq, %broadcast_in_dim3A_319, %eq3A_694 : vector<2048x1xi32>
      %convert_element_type3A_696 = arith.extui %eq3A_695 : vector<2048x1xi1> to vector<2048x1xi32>
      %convert_element_type3A_697 = arith.sitofp %convert_element_type3A_696 : vector<2048x1xi32> to vector<2048x1xf32>
      %mul3A_698 = arith.mulf %div3A_325, %convert_element_type3A_697 : vector<2048x1xf32>
      %add3A_699 = arith.addf %mul3A_692, %mul3A_698 : vector<2048x1xf32>
      %mul3A_700 = vector.broadcast %add3A_699 : vector<2048x1xf32> to vector<2048x64xf32>
      %mul3A_701 = arith.mulf %add3A_686, %mul3A_700 : vector<2048x64xf32>
      %add3A_702 = arith.addf %add3A_655, %mul3A_701 : vector<2048x64xf32>
      %get3A_703 = arith.constant 0 : index
      %get3A_704 = arith.constant 0 : index
      %get3A_705 = vector.load %arg15[%get3A_703, %get3A_704] : memref<64x256xf32, #tpu.memory_space<vmem>>, vector<64x256xf32>
      %dot_general3A_706 = arith.constant dense<0.000000e+00> : vector<2048x256xf32>
      %dot_general3A_707 = tpu.matmul %add3A_702, %get3A_705, %dot_general3A_706 {dimension_numbers = #tpu.dot_dimension_numbers<[1], [0], [0], [1], [0, 0, 1, 1], [], []>, transpose_lhs_hint = false} : vector<2048x64xf32>, vector<64x256xf32>, vector<2048x256xf32> -> vector<2048x256xf32>
      %get3A_708 = arith.constant 0 : index
      %get3A_709 = arith.constant 0 : index
      %get3A_710 = vector.load %arg16[%get3A_708, %get3A_709] : memref<1x256xf32, #tpu.memory_space<vmem>>, vector<1x256xf32>
      %add3A_711 = vector.broadcast %get3A_710 : vector<1x256xf32> to vector<2048x256xf32>
      %add3A_712 = arith.addf %dot_general3A_707, %add3A_711 : vector<2048x256xf32>
      %logistic3A = arith.negf %add3A_712 : vector<2048x256xf32>
      %logistic3A_713 = math.exp %logistic3A : vector<2048x256xf32>
      %logistic3A_714 = arith.constant 1.000000e+00 : f32
      %logistic3A_715 = vector.broadcast %logistic3A_714 : f32 to vector<2048x256xf32>
      %logistic3A_716 = arith.addf %logistic3A_715, %logistic3A_713 : vector<2048x256xf32>
      %logistic3A_717 = arith.divf %logistic3A_715, %logistic3A_716 : vector<2048x256xf32>
      %mul3A_718 = vector.broadcast %select_n3A_68 : vector<2048x1xf32> to vector<2048x256xf32>
      %mul3A_719 = arith.mulf %logistic3A_717, %mul3A_718 : vector<2048x256xf32>
      %get3A_720 = arith.constant 0 : index
      %get3A_721 = arith.constant 0 : index
      %get3A_722 = vector.load %arg17[%get3A_720, %get3A_721] : memref<256x128xf32, #tpu.memory_space<vmem>>, vector<256x128xf32>
      %dot_general3A_723 = arith.constant dense<0.000000e+00> : vector<2048x128xf32>
      %dot_general3A_724 = tpu.matmul %mul3A_719, %get3A_722, %dot_general3A_723 {dimension_numbers = #tpu.dot_dimension_numbers<[1], [0], [0], [1], [0, 0, 1, 1], [], []>, transpose_lhs_hint = false} : vector<2048x256xf32>, vector<256x128xf32>, vector<2048x128xf32> -> vector<2048x128xf32>
      %get3A_725 = arith.constant 0 : index
      %get3A_726 = arith.constant 0 : index
      %get3A_727 = vector.load %arg18[%get3A_725, %get3A_726] : memref<1x128xf32, #tpu.memory_space<vmem>>, vector<1x128xf32>
      %add3A_728 = vector.broadcast %get3A_727 : vector<1x128xf32> to vector<2048x128xf32>
      %add3A_729 = arith.addf %dot_general3A_724, %add3A_728 : vector<2048x128xf32>
      %mul3A_730 = arith.constant 2.500000e+00 : f32
      %mul3A_731 = vector.broadcast %mul3A_730 : f32 to vector<2048x128xf32>
      %mul3A_732 = arith.mulf %mul3A_731, %add3A_729 : vector<2048x128xf32>
      %broadcast_in_dim3A_733 = arith.constant -2.500000e+00 : f32
      %broadcast_in_dim3A_734 = vector.broadcast %broadcast_in_dim3A_733 : f32 to vector<2048x128xf32>
      %broadcast_in_dim3A_735 = arith.constant 0.000000e+00 : f32
      %broadcast_in_dim3A_736 = vector.broadcast %broadcast_in_dim3A_735 : f32 to vector<2048x128xf32>
      %add3A_737 = arith.addf %broadcast_in_dim3A_734, %mul3A_732 : vector<2048x128xf32>
      %tanh3A_738 = math.tanh %add3A_737 : vector<2048x128xf32>
      %add3A_739 = arith.addf %broadcast_in_dim3A_736, %tanh3A_738 : vector<2048x128xf32>
      %mul3A_740 = arith.constant 1.250000e+00 : f32
      %mul3A_741 = vector.broadcast %mul3A_740 : f32 to vector<2048x128xf32>
      %mul3A_742 = arith.mulf %mul3A_741, %tanh3A_738 : vector<2048x128xf32>
      %add3A_743 = arith.constant 1.250000e+00 : f32
      %add3A_744 = vector.broadcast %add3A_743 : f32 to vector<2048x128xf32>
      %add3A_745 = arith.addf %mul3A_742, %add3A_744 : vector<2048x128xf32>
      %sub3A_746 = arith.subf %add3A_737, %add3A_745 : vector<2048x128xf32>
      %add3A_747 = arith.addf %sub3A_746, %mul3A_732 : vector<2048x128xf32>
      %tanh3A_748 = math.tanh %add3A_747 : vector<2048x128xf32>
      %add3A_749 = arith.addf %add3A_739, %tanh3A_748 : vector<2048x128xf32>
      %mul3A_750 = arith.constant 1.250000e+00 : f32
      %mul3A_751 = vector.broadcast %mul3A_750 : f32 to vector<2048x128xf32>
      %mul3A_752 = arith.mulf %mul3A_751, %tanh3A_748 : vector<2048x128xf32>
      %add3A_753 = arith.constant 1.250000e+00 : f32
      %add3A_754 = vector.broadcast %add3A_753 : f32 to vector<2048x128xf32>
      %add3A_755 = arith.addf %mul3A_752, %add3A_754 : vector<2048x128xf32>
      %sub3A_756 = arith.subf %add3A_747, %add3A_755 : vector<2048x128xf32>
      %add3A_757 = arith.addf %sub3A_756, %mul3A_732 : vector<2048x128xf32>
      %tanh3A_758 = math.tanh %add3A_757 : vector<2048x128xf32>
      %add3A_759 = arith.addf %add3A_749, %tanh3A_758 : vector<2048x128xf32>
      %mul3A_760 = arith.constant 1.250000e+00 : f32
      %mul3A_761 = vector.broadcast %mul3A_760 : f32 to vector<2048x128xf32>
      %mul3A_762 = arith.mulf %mul3A_761, %tanh3A_758 : vector<2048x128xf32>
      %add3A_763 = arith.constant 1.250000e+00 : f32
      %add3A_764 = vector.broadcast %add3A_763 : f32 to vector<2048x128xf32>
      %add3A_765 = arith.addf %mul3A_762, %add3A_764 : vector<2048x128xf32>
      %sub3A_766 = arith.subf %add3A_757, %add3A_765 : vector<2048x128xf32>
      %add3A_767 = arith.addf %sub3A_766, %mul3A_732 : vector<2048x128xf32>
      %tanh3A_768 = math.tanh %add3A_767 : vector<2048x128xf32>
      %add3A_769 = arith.addf %add3A_759, %tanh3A_768 : vector<2048x128xf32>
      %mul3A_770 = arith.constant 1.250000e+00 : f32
      %mul3A_771 = vector.broadcast %mul3A_770 : f32 to vector<2048x128xf32>
      %mul3A_772 = arith.mulf %mul3A_771, %tanh3A_768 : vector<2048x128xf32>
      %add3A_773 = arith.constant 1.250000e+00 : f32
      %add3A_774 = vector.broadcast %add3A_773 : f32 to vector<2048x128xf32>
      %add3A_775 = arith.addf %mul3A_772, %add3A_774 : vector<2048x128xf32>
      %sub3A_776 = arith.subf %add3A_767, %add3A_775 : vector<2048x128xf32>
      %add3A_777 = arith.addf %sub3A_776, %mul3A_732 : vector<2048x128xf32>
      %tanh3A_778 = math.tanh %add3A_777 : vector<2048x128xf32>
      %add3A_779 = arith.addf %add3A_769, %tanh3A_778 : vector<2048x128xf32>
      %mul3A_780 = arith.constant 1.250000e+00 : f32
      %mul3A_781 = vector.broadcast %mul3A_780 : f32 to vector<2048x128xf32>
      %mul3A_782 = arith.mulf %mul3A_781, %tanh3A_778 : vector<2048x128xf32>
      %add3A_783 = arith.constant 1.250000e+00 : f32
      %add3A_784 = vector.broadcast %add3A_783 : f32 to vector<2048x128xf32>
      %add3A_785 = arith.addf %mul3A_782, %add3A_784 : vector<2048x128xf32>
      %sub3A_786 = arith.subf %add3A_777, %add3A_785 : vector<2048x128xf32>
      %add3A_787 = arith.addf %sub3A_786, %mul3A_732 : vector<2048x128xf32>
      %tanh3A_788 = math.tanh %add3A_787 : vector<2048x128xf32>
      %add3A_789 = arith.addf %add3A_779, %tanh3A_788 : vector<2048x128xf32>
      %mul3A_790 = arith.constant 1.250000e+00 : f32
      %mul3A_791 = vector.broadcast %mul3A_790 : f32 to vector<2048x128xf32>
      %mul3A_792 = arith.mulf %mul3A_791, %tanh3A_788 : vector<2048x128xf32>
      %add3A_793 = arith.constant 1.250000e+00 : f32
      %add3A_794 = vector.broadcast %add3A_793 : f32 to vector<2048x128xf32>
      %add3A_795 = arith.addf %mul3A_792, %add3A_794 : vector<2048x128xf32>
      %sub3A_796 = arith.subf %add3A_787, %add3A_795 : vector<2048x128xf32>
      %add3A_797 = arith.addf %sub3A_796, %mul3A_732 : vector<2048x128xf32>
      %tanh3A_798 = math.tanh %add3A_797 : vector<2048x128xf32>
      %add3A_799 = arith.addf %add3A_789, %tanh3A_798 : vector<2048x128xf32>
      %mul3A_800 = arith.constant 1.250000e+00 : f32
      %mul3A_801 = vector.broadcast %mul3A_800 : f32 to vector<2048x128xf32>
      %mul3A_802 = arith.mulf %mul3A_801, %tanh3A_798 : vector<2048x128xf32>
      %add3A_803 = arith.constant 1.250000e+00 : f32
      %add3A_804 = vector.broadcast %add3A_803 : f32 to vector<2048x128xf32>
      %add3A_805 = arith.addf %mul3A_802, %add3A_804 : vector<2048x128xf32>
      %sub3A_806 = arith.subf %add3A_797, %add3A_805 : vector<2048x128xf32>
      %add3A_807 = arith.addf %sub3A_806, %mul3A_732 : vector<2048x128xf32>
      %tanh3A_808 = math.tanh %add3A_807 : vector<2048x128xf32>
      %add3A_809 = arith.addf %add3A_799, %tanh3A_808 : vector<2048x128xf32>
      %mul3A_810 = arith.constant 1.250000e+00 : f32
      %mul3A_811 = vector.broadcast %mul3A_810 : f32 to vector<2048x128xf32>
      %mul3A_812 = arith.mulf %mul3A_811, %tanh3A_808 : vector<2048x128xf32>
      %add3A_813 = arith.constant 1.250000e+00 : f32
      %add3A_814 = vector.broadcast %add3A_813 : f32 to vector<2048x128xf32>
      %add3A_815 = arith.addf %mul3A_812, %add3A_814 : vector<2048x128xf32>
      %sub3A_816 = arith.subf %add3A_807, %add3A_815 : vector<2048x128xf32>
      %add3A_817 = arith.addf %sub3A_816, %mul3A_732 : vector<2048x128xf32>
      %tanh3A_818 = math.tanh %add3A_817 : vector<2048x128xf32>
      %add3A_819 = arith.addf %add3A_809, %tanh3A_818 : vector<2048x128xf32>
      %mul3A_820 = arith.constant 1.250000e+00 : f32
      %mul3A_821 = vector.broadcast %mul3A_820 : f32 to vector<2048x128xf32>
      %mul3A_822 = arith.mulf %mul3A_821, %tanh3A_818 : vector<2048x128xf32>
      %add3A_823 = arith.constant 1.250000e+00 : f32
      %add3A_824 = vector.broadcast %add3A_823 : f32 to vector<2048x128xf32>
      %add3A_825 = arith.addf %mul3A_822, %add3A_824 : vector<2048x128xf32>
      %sub3A_826 = arith.subf %add3A_817, %add3A_825 : vector<2048x128xf32>
      %add3A_827 = arith.addf %sub3A_826, %mul3A_732 : vector<2048x128xf32>
      %tanh3A_828 = math.tanh %add3A_827 : vector<2048x128xf32>
      %add3A_829 = arith.addf %add3A_819, %tanh3A_828 : vector<2048x128xf32>
      %mul3A_830 = arith.constant 1.250000e+00 : f32
      %mul3A_831 = vector.broadcast %mul3A_830 : f32 to vector<2048x128xf32>
      %mul3A_832 = arith.mulf %mul3A_831, %tanh3A_828 : vector<2048x128xf32>
      %add3A_833 = arith.constant 1.250000e+00 : f32
      %add3A_834 = vector.broadcast %add3A_833 : f32 to vector<2048x128xf32>
      %add3A_835 = arith.addf %mul3A_832, %add3A_834 : vector<2048x128xf32>
      %sub3A_836 = arith.subf %add3A_827, %add3A_835 : vector<2048x128xf32>
      %add3A_837 = arith.addf %sub3A_836, %mul3A_732 : vector<2048x128xf32>
      %tanh3A_838 = math.tanh %add3A_837 : vector<2048x128xf32>
      %add3A_839 = arith.addf %add3A_829, %tanh3A_838 : vector<2048x128xf32>
      %mul3A_840 = arith.constant 1.250000e+00 : f32
      %mul3A_841 = vector.broadcast %mul3A_840 : f32 to vector<2048x128xf32>
      %mul3A_842 = arith.mulf %mul3A_841, %tanh3A_838 : vector<2048x128xf32>
      %add3A_843 = arith.constant 1.250000e+00 : f32
      %add3A_844 = vector.broadcast %add3A_843 : f32 to vector<2048x128xf32>
      %add3A_845 = arith.addf %mul3A_842, %add3A_844 : vector<2048x128xf32>
      %sub3A_846 = arith.subf %add3A_837, %add3A_845 : vector<2048x128xf32>
      %add3A_847 = arith.addf %sub3A_846, %mul3A_732 : vector<2048x128xf32>
      %tanh3A_848 = math.tanh %add3A_847 : vector<2048x128xf32>
      %add3A_849 = arith.addf %add3A_839, %tanh3A_848 : vector<2048x128xf32>
      %mul3A_850 = arith.constant 1.250000e+00 : f32
      %mul3A_851 = vector.broadcast %mul3A_850 : f32 to vector<2048x128xf32>
      %mul3A_852 = arith.mulf %mul3A_851, %tanh3A_848 : vector<2048x128xf32>
      %add3A_853 = arith.constant 1.250000e+00 : f32
      %add3A_854 = vector.broadcast %add3A_853 : f32 to vector<2048x128xf32>
      %add3A_855 = arith.addf %mul3A_852, %add3A_854 : vector<2048x128xf32>
      %sub3A_856 = arith.subf %add3A_847, %add3A_855 : vector<2048x128xf32>
      %add3A_857 = arith.addf %sub3A_856, %mul3A_732 : vector<2048x128xf32>
      %tanh3A_858 = math.tanh %add3A_857 : vector<2048x128xf32>
      %add3A_859 = arith.addf %add3A_849, %tanh3A_858 : vector<2048x128xf32>
      %mul3A_860 = arith.constant 1.250000e+00 : f32
      %mul3A_861 = vector.broadcast %mul3A_860 : f32 to vector<2048x128xf32>
      %mul3A_862 = arith.mulf %mul3A_861, %tanh3A_858 : vector<2048x128xf32>
      %add3A_863 = arith.constant 1.250000e+00 : f32
      %add3A_864 = vector.broadcast %add3A_863 : f32 to vector<2048x128xf32>
      %add3A_865 = arith.addf %mul3A_862, %add3A_864 : vector<2048x128xf32>
      %sub3A_866 = arith.subf %add3A_857, %add3A_865 : vector<2048x128xf32>
      %add3A_867 = arith.addf %sub3A_866, %mul3A_732 : vector<2048x128xf32>
      %tanh3A_868 = math.tanh %add3A_867 : vector<2048x128xf32>
      %add3A_869 = arith.addf %add3A_859, %tanh3A_868 : vector<2048x128xf32>
      %mul3A_870 = arith.constant 1.250000e+00 : f32
      %mul3A_871 = vector.broadcast %mul3A_870 : f32 to vector<2048x128xf32>
      %mul3A_872 = arith.mulf %mul3A_871, %tanh3A_868 : vector<2048x128xf32>
      %add3A_873 = arith.constant 1.250000e+00 : f32
      %add3A_874 = vector.broadcast %add3A_873 : f32 to vector<2048x128xf32>
      %add3A_875 = arith.addf %mul3A_872, %add3A_874 : vector<2048x128xf32>
      %sub3A_876 = arith.subf %add3A_867, %add3A_875 : vector<2048x128xf32>
      %add3A_877 = arith.addf %sub3A_876, %mul3A_732 : vector<2048x128xf32>
      %tanh3A_878 = math.tanh %add3A_877 : vector<2048x128xf32>
      %add3A_879 = arith.addf %add3A_869, %tanh3A_878 : vector<2048x128xf32>
      %mul3A_880 = arith.constant 1.250000e+00 : f32
      %mul3A_881 = vector.broadcast %mul3A_880 : f32 to vector<2048x128xf32>
      %mul3A_882 = arith.mulf %mul3A_881, %tanh3A_878 : vector<2048x128xf32>
      %add3A_883 = arith.constant 1.250000e+00 : f32
      %add3A_884 = vector.broadcast %add3A_883 : f32 to vector<2048x128xf32>
      %add3A_885 = arith.addf %mul3A_882, %add3A_884 : vector<2048x128xf32>
      %sub3A_886 = arith.subf %add3A_877, %add3A_885 : vector<2048x128xf32>
      %add3A_887 = arith.addf %sub3A_886, %mul3A_732 : vector<2048x128xf32>
      %tanh3A_888 = math.tanh %add3A_887 : vector<2048x128xf32>
      %add3A_889 = arith.addf %add3A_879, %tanh3A_888 : vector<2048x128xf32>
      %mul3A_890 = arith.constant 3.125000e-02 : f32
      %mul3A_891 = vector.broadcast %mul3A_890 : f32 to vector<2048x128xf32>
      %mul3A_892 = arith.mulf %add3A_889, %mul3A_891 : vector<2048x128xf32>
      %add3A_893 = arith.constant 5.000000e-01 : f32
      %add3A_894 = vector.broadcast %add3A_893 : f32 to vector<2048x128xf32>
      %add3A_895 = arith.addf %mul3A_892, %add3A_894 : vector<2048x128xf32>
      %swap3A_896 = arith.constant 0 : index
      %swap3A_897 = arith.constant 0 : index
      %swap3A_898 = vector.load %arg22[%swap3A_896, %swap3A_897] : memref<2048x128xf32, #tpu.memory_space<vmem>>, vector<2048x128xf32>
      tpu.vector_store %arg22[%swap3A_896, %swap3A_897], %add3A_895 {strides = array<i32>} : memref<2048x128xf32, #tpu.memory_space<vmem>>, vector<2048x128xf32>,
    } else {
    }
    %get3A = arith.constant 0 : index
    %get3A_2 = arith.constant 0 : index
    %get3A_3 = vector.load %arg20[%get3A, %get3A_2] : memref<1x2048xf32, #tpu.memory_space<vmem>>, vector<1x2048xf32>
    %transpose3A = tpu.transpose %get3A_3, [1, 0] : vector<1x2048xf32> -> vector<2048x1xf32>
    %get3A_4 = arith.constant 0 : index
    %get3A_5 = arith.constant 0 : index
    %get3A_6 = vector.load %arg19[%get3A_4, %get3A_5] : memref<2048x128xf32, #tpu.memory_space<vmem>>, vector<2048x128xf32>
    %get3A_7 = arith.constant 0 : index
    %get3A_8 = arith.constant 0 : index
    %get3A_9 = vector.load %arg22[%get3A_7, %get3A_8] : memref<2048x128xf32, #tpu.memory_space<vmem>>, vector<2048x128xf32>
    %dot_general3A = arith.constant dense<0.000000e+00> : vector<2048x2048xf32>
    %dot_general3A_10 = tpu.matmul %get3A_6, %get3A_9, %dot_general3A {dimension_numbers = #tpu.dot_dimension_numbers<[1], [1], [0], [0], [0, 0, 1, 0], [], []>, transpose_lhs_hint = false} : vector<2048x128xf32>, vector<2048x128xf32>, vector<2048x2048xf32> -> vector<2048x2048xf32>
    %add3A = vector.broadcast %transpose3A : vector<2048x1xf32> to vector<2048x2048xf32>
    %add3A_11 = arith.addf %dot_general3A_10, %add3A : vector<2048x2048xf32>
    %swap3A = arith.constant 0 : index
    %swap3A_12 = arith.constant 0 : index
    %swap3A_13 = vector.load %arg21[%swap3A, %swap3A_12] : memref<2048x2048xf32, #tpu.memory_space<vmem>>, vector<2048x2048xf32>
    tpu.vector_store %arg21[%swap3A, %swap3A_12], %add3A_11 {strides = array<i32>} : memref<2048x2048xf32, #tpu.memory_space<vmem>>, vector<2048x2048xf32>,
    return
  }
  func.func @transform_0(%arg0: i32) -> (i32, i32) {
    %c0_i32 = arith.constant 0 : i32
    %c0_i32_0 = arith.constant 0 : i32
    %c0_i32_1 = arith.constant 0 : i32
    return %c0_i32, %c0_i32_0 : i32, i32
  }
  func.func @transform_1(%arg0: i32) -> (i32, i32) {
    %c0_i32 = arith.constant 0 : i32
    %c0_i32_0 = arith.constant 0 : i32
    %c0_i32_1 = arith.constant 0 : i32
    return %c0_i32, %c0_i32_0 : i32, i32
  }
  func.func @transform_2(%arg0: i32) -> (i32, i32) {
    %c0_i32 = arith.constant 0 : i32
    %c0_i32_0 = arith.constant 0 : i32
    %c0_i32_1 = arith.constant 0 : i32
    return %c0_i32, %c0_i32_0 : i32, i32
  }
  func.func @transform_3(%arg0: i32) -> (i32, i32) {
    %c0_i32 = arith.constant 0 : i32
    %c0_i32_0 = arith.constant 0 : i32
    %c0_i32_1 = arith.constant 0 : i32
    return %c0_i32, %c0_i32_0 : i32, i32
  }
  func.func @transform_4(%arg0: i32) -> (i32, i32) {
    %c0_i32 = arith.constant 0 : i32
    %c0_i32_0 = arith.constant 0 : i32
    %c0_i32_1 = arith.constant 0 : i32
    return %c0_i32, %c0_i32_0 : i32, i32
  }
  func.func @transform_5(%arg0: i32) -> (i32, i32) {
    %c0_i32 = arith.constant 0 : i32
    %c0_i32_0 = arith.constant 0 : i32
    %c0_i32_1 = arith.constant 0 : i32
    return %c0_i32, %c0_i32_0 : i32, i32
  }
  func.func @transform_6(%arg0: i32) -> (i32, i32) {
    %c0_i32 = arith.constant 0 : i32
    %c0_i32_0 = arith.constant 0 : i32
    %c0_i32_1 = arith.constant 0 : i32
    return %c0_i32, %c0_i32_0 : i32, i32
  }
  func.func @transform_7(%arg0: i32) -> (i32, i32) {
    %c0_i32 = arith.constant 0 : i32
    %c0_i32_0 = arith.constant 0 : i32
    %c0_i32_1 = arith.constant 0 : i32
    return %c0_i32, %c0_i32_0 : i32, i32
  }
  func.func @transform_8(%arg0: i32) -> (i32, i32) {
    %c0_i32 = arith.constant 0 : i32
    %c0_i32_0 = arith.constant 0 : i32
    %c0_i32_1 = arith.constant 0 : i32
    return %c0_i32, %c0_i32_0 : i32, i32
  }
  func.func @transform_9(%arg0: i32) -> (i32, i32) {
    %c0_i32 = arith.constant 0 : i32
    %c0_i32_0 = arith.constant 0 : i32
    %c0_i32_1 = arith.constant 0 : i32
    return %c0_i32, %c0_i32_0 : i32, i32
  }
  func.func @transform_10(%arg0: i32) -> (i32, i32, i32) {
    %c0_i32 = arith.constant 0 : i32
    %c0_i32_0 = arith.constant 0 : i32
    %c0_i32_1 = arith.constant 0 : i32
    %c0_i32_2 = arith.constant 0 : i32
    return %c0_i32, %c0_i32_0, %c0_i32_1 : i32, i32, i32
  }
  func.func @transform_11(%arg0: i32) -> (i32, i32, i32) {
    %c0_i32 = arith.constant 0 : i32
    %c0_i32_0 = arith.constant 0 : i32
    %c0_i32_1 = arith.constant 0 : i32
    %c0_i32_2 = arith.constant 0 : i32
    return %c0_i32, %c0_i32_0, %c0_i32_1 : i32, i32, i32
  }
  func.func @transform_12(%arg0: i32) -> (i32, i32, i32) {
    %c0_i32 = arith.constant 0 : i32
    %c0_i32_0 = arith.constant 0 : i32
    %c0_i32_1 = arith.constant 0 : i32
    %c0_i32_2 = arith.constant 0 : i32
    return %c0_i32, %c0_i32_0, %c0_i32_1 : i32, i32, i32
  }
  func.func @transform_13(%arg0: i32) -> (i32, i32, i32) {
    %c0_i32 = arith.constant 0 : i32
    %c0_i32_0 = arith.constant 0 : i32
    %c0_i32_1 = arith.constant 0 : i32
    %c0_i32_2 = arith.constant 0 : i32
    return %c0_i32, %c0_i32_0, %c0_i32_1 : i32, i32, i32
  }
  func.func @transform_14(%arg0: i32) -> (i32, i32) {
    %c0_i32 = arith.constant 0 : i32
    %c0_i32_0 = arith.constant 0 : i32
    %c0_i32_1 = arith.constant 0 : i32
    return %c0_i32, %c0_i32_0 : i32, i32
  }
  func.func @transform_15(%arg0: i32) -> (i32, i32) {
    %c0_i32 = arith.constant 0 : i32
    %c0_i32_0 = arith.constant 0 : i32
    %c0_i32_1 = arith.constant 0 : i32
    return %c0_i32, %c0_i32_0 : i32, i32
  }
  func.func @transform_16(%arg0: i32) -> (i32, i32) {
    %c0_i32 = arith.constant 0 : i32
    %c0_i32_0 = arith.constant 0 : i32
    %c0_i32_1 = arith.constant 0 : i32
    return %c0_i32, %c0_i32_0 : i32, i32
  }
  func.func @transform_17(%arg0: i32) -> (i32, i32) {
    %c0_i32 = arith.constant 0 : i32
    %c0_i32_0 = arith.constant 0 : i32
    %c0_i32_1 = arith.constant 0 : i32
    return %c0_i32, %c0_i32_0 : i32, i32
  }
  func.func @transform_18(%arg0: i32) -> (i32, i32) {
    %c0_i32 = arith.constant 0 : i32
    %c0_i32_0 = arith.constant 0 : i32
    return %arg0, %c0_i32 : i32, i32
  }
  func.func @transform_19(%arg0: i32) -> (i32, i32) {
    %c0_i32 = arith.constant 0 : i32
    %c0_i32_0 = arith.constant 0 : i32
    return %c0_i32, %arg0 : i32, i32
  }
  func.func @transform_20(%arg0: i32) -> (i32, i32) {
    %c0_i32 = arith.constant 0 : i32
    %c0_i32_0 = arith.constant 0 : i32
    return %arg0, %c0_i32 : i32, i32
  }
}

</mosaic_0001>

<sc_bundles>
// kernel: kernel.4.cloned.1.call-start
scs
__scs_entry_jumppad:
0x0: {  	(pc) =	sbr.rel $0x88, $3  }
0x1: {  	(tag) =	ssettag $0x0;
	lr =	simm.s32 $0x1  }
0x2: {  	[smem:$0x3F8D] =	sst lr;
	_ =	strace $0xD0000000  }
0x3: {  	_ = 	snop  }
0x4: {  	_ = 	snop  }
0x5: {  	_ = 	snop  }
0x6: {  	_ = 	snop  }
0x7: {  	_ = 	snop  }
__scs_overlays_trampoline_lowered:
0x8: {  	[smem:$0x3F9C] =	sst s0  }
0x9: {  	[smem:$0x3F9D] =	sst s1  }
0xa: {  	[smem:$0x3F9E] =	sst s2  }
0xb: {  	[smem:$0x3F9F] =	sst s3  }
0xc: {  	[smem:$0x3FA0] =	sst s4  }
0xd: {  	[smem:$0x3FA1] =	sst s5  }
0xe: {  	[smem:$0x3FA2] =	sst s6  }
0xf: {  	[smem:$0x3FA3] =	sst s7  }
0x10: {  	[smem:$0x3FA4] =	sst s8  }
0x11: {  	[smem:$0x3FA5] =	sst s9;
	s0 =	simm.s32 @!p0 $0x0  }
0x12: {  	s1 =	sld [smem:$0x3F8B];
	s0 =	simm.s32 @p0 $0x1  }
0x13: {  	[smem:$0x3FA6] =	sst s0;
	s0 =	simm.s32 @!p1 $0x0  }
0x14: {  	s2 =	sld [smem:$0x3F8A];
	s0 =	simm.s32 @p1 $0x1  }
0x15: {  	[smem:$0x3FA7] =	sst s0;
	s0 =	simm.s32 @!p2 $0x0  }
0x16: {  	s3 =	sld [smem:$0x3FDB];
	s0 =	simm.s32 @p2 $0x1  }
0x17: {  	s4 =	simm.s32 $0x1BF5;
	[smem:$0x3FA9] =	sst s0  }
0x18: {  	s0 =	sld [smem:$0x3F8C];
	_ =	swait.ge [sflag:s4], $0x0  }
0x19: {  	s7 =	sld [smem:$0x3F8D]  }
0x1a: {  	s8 =	sadd.s32 $0xFFFFE003, lr  }
0x1b: {  	s9 =	sadd.s32 $0xFFFFFEF7, lr;
	s5 =	simm.s32 $0xFFFFFFFF;
	p2 =	slt.u32 s8, $0xFFFFF086  }
0x1c: {  	p1 =	slt.u32 s9, $0xF7A;
	s5 =	simm.s32 @!p2 $0x0  }
0x1d: {  	s5 =	simm.s32 @p1 $0x1;
	p0 =	seq.s32 s7, s2  }
0x1e: {  	s7 =	smul.u32 @!p0 $0xF7A, s2;
	p2 =	seq.s32 @!p0 s5, $0x0  }
0x1f: {  	s9 =	smul.u32 $0xF7A, s1;
	s8 =	simm.s32 @!p0 $0x1BF5;
	p2 =	por !p2, p0  }
0x20: {  	[sflag:s8] =	ssyncset.s32 @!p0 $0xFFFFF086;
	s6 =	sadd.s32 @!p0 s3, s7;
	s7 =	simm.s32 @!p0 $0x108  }
0x21: {  	s3 =	sadd.s32 s3, s9;
	s6 =	sadd.s32 @!p0 $0x88, s6;
	s7 =	simm.s32 @p2 $0x1082  }
0x22: {  	[simem:s7], [sflag:s8] =	dma.local @!p0 [hbm:s6], $0xF7A  }
0x23: {  	s9 =	sor.u32 $0xD0000000, s2;
	s6 =	simm.s32 $0x108;
	_ =	swait.ge @!p0 [sflag:s8], $0x0  }
0x24: {  	s3 =	sadd.s32 $0x88, s3;
	s6 =	simm.s32 @!p1 $0x1082;
	[sflag:s4] =	ssyncset.s32 $0xFFFFF086  }
0x25: {  	[simem:s6], [sflag:s4] =	dma.local [hbm:s3], $0xF7A  }
0x26: {  	[smem:$0x3F8D] =	sst s1;
	(tag) =	ssettag s2;
	_ =	strace s9  }
0x27: {  	s1 =	sld [smem:$0x3F9D]  }
0x28: {  	s2 =	sld [smem:$0x3F9E]  }
0x29: {  	s4 =	sld [smem:$0x3FA0]  }
0x2a: {  	p0 =	seq.s32 s5, $0x0;
	s5 =	sld [smem:$0x3FA1]  }
0x2b: {  	s6 =	sld [smem:$0x3FA2]  }
0x2c: {  	s7 =	sld [smem:$0x3FA3]  }
0x2d: {  	s3 =	simm.s32 $0x108;
	s8 =	sld [smem:$0x3FA4]  }
0x2e: {  	s3 =	simm.s32 @!p0 $0x1082;
	s9 =	sld [smem:$0x3FA5]  }
0x2f: {  	lr =	sadd.s32 s0, s3;
	s0 =	sld [smem:$0x3F9C]  }
0x30: {  	s3 =	sld [smem:$0x3F9F]  }
0x31: {  	[smem:$0x3FA8] =	sst s10  }
0x32: {  	s10 =	sld [smem:$0x3FA6];
	_ =	sdelay $0x3  }
0x33: {  	p0 =	seq.s32 s10, $0x1;
	s10 =	sld [smem:$0x3FA8];
	_ =	sdelay $0x3  }
0x34: {  	[smem:$0x3FA8] =	sst s10  }
0x35: {  	s10 =	sld [smem:$0x3FA7];
	_ =	sdelay $0x3  }
0x36: {  	p1 =	seq.s32 s10, $0x1;
	s10 =	sld [smem:$0x3FA8];
	_ =	sdelay $0x3  }
0x37: {  	[smem:$0x3FA8] =	sst s10  }
0x38: {  	s10 =	sld [smem:$0x3FA9]  }
0x39: {  	_ = 	snop;
	(pc) =	sbr.ind lr, $3  }
0x3a: {  	_ = 	snop  }
0x3b: {  	_ = 	snop  }
0x3c: {  	p2 =	seq.s32 s10, $0x1;
	s10 =	sld [smem:$0x3FA8]  }
0x3d: {  	_ =	shalt  }
0x3e: {  	_ =	shalt  }
0x3f: {  	_ =	shalt  }
0x40: {  	_ =	shalt  }
0x41: {  	_ =	shalt  }
0x42: {  	_ =	shalt  }
0x43: {  	_ =	shalt  }
0x44: {  	_ =	shalt  }
0x45: {  	_ =	shalt  }
0x46: {  	_ =	shalt  }
0x47: {  	_ =	shalt  }
0x48: {  	_ =	shalt  }
0x49: {  	_ =	shalt  }
0x4a: {  	_ =	shalt  }
0x4b: {  	_ =	shalt  }
0x4c: {  	_ =	shalt  }
0x4d: {  	_ =	shalt  }
0x4e: {  	_ =	shalt  }
0x4f: {  	_ =	shalt  }
0x50: {  	_ =	shalt  }
0x51: {  	_ =	shalt  }
0x52: {  	_ =	shalt  }
0x53: {  	_ =	shalt  }
0x54: {  	_ =	shalt  }
0x55: {  	_ =	shalt  }
0x56: {  	_ =	shalt  }
0x57: {  	_ =	shalt  }
0x58: {  	_ =	shalt  }
0x59: {  	_ =	shalt  }
0x5a: {  	_ =	shalt  }
0x5b: {  	_ =	shalt  }
0x5c: {  	_ =	shalt  }
0x5d: {  	_ =	shalt  }
0x5e: {  	_ =	shalt  }
0x5f: {  	_ =	shalt  }
0x60: {  	_ =	shalt  }
0x61: {  	_ =	shalt  }
0x62: {  	_ =	shalt  }
0x63: {  	_ =	shalt  }
0x64: {  	_ =	shalt  }
0x65: {  	_ =	shalt  }
0x66: {  	_ =	shalt  }
0x67: {  	_ =	shalt  }
0x68: {  	_ =	shalt  }
0x69: {  	_ =	shalt  }
0x6a: {  	_ =	shalt  }
0x6b: {  	_ =	shalt  }
0x6c: {  	_ =	shalt  }
0x6d: {  	_ =	shalt  }
0x6e: {  	_ =	shalt  }
0x6f: {  	_ =	shalt  }
0x70: {  	_ =	shalt  }
0x71: {  	_ =	shalt  }
0x72: {  	_ =	shalt  }
0x73: {  	_ =	shalt  }
0x74: {  	_ =	shalt  }
0x75: {  	_ =	shalt  }
0x76: {  	_ =	shalt  }
0x77: {  	_ =	shalt  }
0x78: {  	_ =	shalt  }
0x79: {  	_ =	shalt  }
0x7a: {  	_ =	shalt  }
0x7b: {  	_ =	shalt  }
0x7c: {  	_ =	shalt  }
0x7d: {  	_ =	shalt  }
0x7e: {  	_ =	shalt  }
0x7f: {  	_ =	shalt  }
0x80: {  	_ =	shalt  }
0x81: {  	_ =	shalt  }
0x82: {  	_ =	shalt  }
0x83: {  	_ =	shalt  }
0x84: {  	_ =	shalt  }
0x85: {  	_ =	shalt  }
0x86: {  	_ =	shalt  }
0x87: {  	_ =	shalt  }
.Lfunc_end0:
.L_simem_size_0:
called_computation_lowered:
.L_overlay_start_0:
0x88: {  	s2 =	sld [smem:$0x3FD9]  }
0x89: {  	s3 =	sld [smem:$0x3FFE];
	_ =	sdelay $0x1  }
0x8a: {  	s1 =	srdreg.scid  }
0x8b: {  	s0 =	sand.u32 $0x1, s1  }
0x8c: {  	s17 =	sshll.u32 s0, $0xA;
	s2 =	sadd.s32 s3, s2  }
0x8d: {  	s2 =	sadd.s32 s2, s17  }
0x8e: {  	[smem:$0x3FB4] =	sst s2  }
0x8f: {  	_ = 	snop  }
0x90: {  	s2 =	sld [smem:$0x3FC9]  }
0x91: {  	s18 =	sld [smem:$0x3FC8];
	(tm) =	ssettm $0x1  }
0x92: {  	s4 =	sld [smem:$0x3FFB];
	_ =	sdelay $0x3  }
0x93: {  	_ =	strace s4  }
0x94: {  	s4 =	sld [smem:$0x3FFC];
	_ =	sdelay $0x3  }
0x95: {  	_ =	strace s4  }
0x96: {  	s4 =	sld [smem:$0x3FFD];
	_ =	sdelay $0x3  }
0x97: {  	_ =	strace s4  }
0x98: {  	_ =	strace $0x8FFFFFFF  }
0x99: {  	s19 =	sld [smem:$0x3FDB];
	_ =	sdelay $0x1  }
0x9a: {  	s5 =	simm.s32 $_scs_section_size  }
0x9b: {  	s6 =	simm.s32 $_size__tile_overlayer_lowered;
	s7 =	simm.s32 $_tile_overlayer_lowered  }
0x9c: {  	s22 =	simm.s32 $0x1BFF;
	s21 =	sshll.u32 s7, $0x1;
	s4 =	sadd.s32 s5, s19  }
0x9d: {  	s8 =	simm.s32 $0x0;
	s20 =	sshll.u32 s6, $0x1;
	s6 =	sadd.s32 s21, s4  }
0x9e: {  	[timem:s8], [sflag:s22] =	dma.local [hbm:s6], s20  }
0x9f: {  	_ =	swait.ge [sflag:s22], s20  }
0xa0: {  	s5 =	ssub.s32 $0x0, s20;
	[sflag:s22] =	ssyncset.done $0x0  }
0xa1: {  	[sflag:s22] =	ssyncadd.s32 s5;
	_ =	sdelay $0x1  }
0xa2: {  	s23 =	simm.s32 $0x1B8B  }
0xa3: {  	_ =	swait.ge [sflag:s23], $0x1  }
0xa4: {  	[sflag:s23] =	ssyncset.done $0x0  }
0xa5: {  	s25 =	simm.s32 $0x1B8E;
	s24 =	sld [smem:$0x3FFE];
	[sflag:s23] =	ssyncadd.s32 $0xFFFFFFFF  }
0xa6: {  	s26 =	simm.s32 $execute0_lowered;
	[smem:$0x3FD2] =	sst s25  }
0xa7: {  	s6 =	sshll.u32 s26, $0x1;
	_ =	strace $0x80000046;
	[dreg:$0x1] =	wrdreg $0xFFFFFFFF  }
0xa8: {  	s28 =	simm.s32 $_size_execute0_lowered;
	s4 =	sadd.s32 s4, s6;
	[dreg:$0x0] =	wrdreg $0x0  }
0xa9: {  	s6 =	sshll.u32 s28, $0x1;
	[dreg:$0x2] =	wrdreg s4  }
0xaa: {  	[dreg:$0x3] =	wrdreg s6  }
0xab: {  	[dreg:$0x4] =	wrdreg $0xC0  }
0xac: {  	_ =	task [dreg:s8], $0x5FFFF  }
0xad: {  	[dreg:$0x1] =	wrdreg $0xFFFFFFFF  }
0xae: {  	[dreg:$0x0] =	wrdreg $0x60  }
0xaf: {  	[dreg:$0x2] =	wrdreg s18  }
0xb0: {  	[dreg:$0x3] =	wrdreg s2  }
0xb1: {  	[dreg:$0x4] =	wrdreg s24  }
0xb2: {  	[dreg:$0x5] =	wrdreg $0x9  }
0xb3: {  	_ =	task.clear_ibuf [dreg:s8], $0x6FFFF;
	_ =	strace $0x90000046  }
0xb4: {  	s29 =	simm.s32 $0x9;
	_ =	strace $0x80000048  }
0xb5: {  	_ =	swait.ge [sflag:s29], $0x1  }
0xb6: {  	[sflag:s29] =	ssyncadd.s32 $0xFFFFFFFF  }
0xb7: {  	_ =	strace $0x90000048  }
0xb8: {  	_ =	sfence  }
0xb9: {  	s30 =	sld [smem:$0x0];
	_ =	sdelay $0x2  }
0xba: {  	s31 =	sshll.u32 s1, $0xD;
	s1 =	sshrl.u32 s1, $0x2  }
0xbb: {  	s3 =	sand.u32 $0x4000, s31;
	s1 =	sadd.s32 s1, s30  }
0xbc: {  	s0 =	sor.u32 s3, s0;
	s1 =	sshll.u32 s1, $0x11  }
0xbd: {  	s0 =	sor.u32 s1, s0  }
0xbe: {  	s0 =	sadd.s32 $0x8F2B, s0  }
0xbf: {  	[sflag:s0] =	ssyncadd.remote.s32 $0x1  }
0xc0: {  	_ =	sfence.sel $0xFFFF  }
0xc1: {  	[dreg:$0x0] =	wrdreg $0xFFFFFFFF;
	(pc) =	sbr.abs _section_cstart, $3  }
0xc2: {  	[dreg:$0x1] =	wrdreg $0xFFFFFFFF  }
0xc3: {  	_ =	task.clear_ibuf [dreg:s8], $0x2FFFF;
	_ =	strace $0x9FFFFFFF  }
0xc4: {  	(tm) =	ssettm $0x7FFFFFFF  }
0xc5: {  	_ =	shalt  }
tec
execute0_lowered:
.L_overlay_start_1:
0x0: {  	(tag) =	ssettag $0x1  }
0x1: {  	s1 =	rddreg [dreg:$0x0];
	s2 =	srdreg.scid  }
0x2: {  	s4 =	rddreg [dreg:$0x1];
	s0 =	stileid.u32  }
0x3: {  	s9 =	rddreg [dreg:$0x2];
	s3 =	simm.s32 $0x0;
	s6 =	sand.u32 $0x1, s2  }
0x4: {  	s5 =	sshll.u32 s0, $0x7;
	s2 =	rddreg [dreg:$0x3];
	s7 =	sshll.u32 s6, $0x6  }
0x5: {  	s8 =	simm.s32 $0x1;
	[smem:$0x7FF] =	sst s3;
	s10 =	sor.u32 s7, s5  }
0x6: {  	_ =	strace $0x80000047;
	s11 =	ssub.s32 $0x2, s6;
	s5 =	sshrl.u32 s10, $0x3  }
0x7: {  	s6 =	simm.s32 $0x40;
	s5 =	sadd.s32 s4, s5;
	s4 =	simm.s32 $0x2  }
0x8: {  	[tilespmem:s3], [sflag:$0x2] =	stream.linear.gather [hbm4b:s5+s3], $0x40, $0x38;
	[tilespmem:$0x2080] =	vst v63  }
0x9: {  	s7 =	simm.s32 $0x80;
	s12 =	sshrl.u32 s11, $0x1;
	_ =	swait.ge [sflag:s4], $0x40  }
0xa: {  	s10 =	sshll.u32 s10, $0x4;
	s31 =	ssub.s32 s11, s12;
	[sflag:s4] =	ssyncset.done $0x0  }
0xb: {  	s9 =	sadd.s32 s10, s9;
	s10 =	smax.u32 s31, $0x1;
	[sflag:s4] =	ssyncadd.s32 $0xFFFFFFC0  }
0xc: {  	[tilespmem:s7], [sflag:$0x1] =	stream.indirect.gather [hbm4b:s1+s6], $0x80, s3, s6, $0xb8;
	[tilespmem:$0x2080] =	vst v63  }
0xd: {  	p0 =	sne.s32 s10, $0x1;
	_ =	swait.ge [sflag:s8], $0x2000  }
.Ltmp0:
0xe: {  	[sflag:s8] =	ssyncset.done $0x0;
	(pc) =	sbr.rel @!p0 .LBB2_2-.Ltmp0, $4  }
0xf: {  	s9 =	sadd.s32 $0xE00, s9;
	[sflag:s8] =	ssyncadd.s32 $0xFFFFE000  }
0x10: {  	[hbm4b:s9+s3] =	stream.linear.scatter [tilespmem:s7], [sflag:$0x2], $0x2000, $0x38;
	[tilespmem:$0x2080] =	vst v63  }
0x11: {  	_ =	swait.ge [sflag:s4], $0x2000  }
0x12: {  	s10 =	sadd.s32 $0xFFFFFFFF, s10;
	[sflag:s4] =	ssyncset.done $0x0  }
.LBB2_1:
0x13: {  	p0 =	sne.s32 s10, $0x1;
	s10 =	sadd.s32 $0xFFFFFFFF, s10;
	[sflag:s4] =	ssyncadd.s32 $0xFFFFE000  }
0x14: {  	[tilespmem:s3], [sflag:$0x2] =	stream.linear.gather [hbm4b:s5+s3], $0x40, $0x38;
	[tilespmem:$0x2080] =	vst v63  }
0x15: {  	_ =	swait.ge [sflag:s4], $0x40  }
0x16: {  	[sflag:s4] =	ssyncset.done $0x0  }
0x17: {  	[sflag:s4] =	ssyncadd.s32 $0xFFFFFFC0  }
0x18: {  	[tilespmem:s7], [sflag:$0x1] =	stream.indirect.gather [hbm4b:s1+s6], $0x80, s3, s6, $0xb8;
	[tilespmem:$0x2080] =	vst v63  }
0x19: {  	_ =	swait.ge [sflag:s8], $0x2000  }
.Ltmp1:
0x1a: {  	[sflag:s8] =	ssyncset.done $0x0;
	(pc) =	sbr.rel @p0 .LBB2_1-.Ltmp1, $4  }
0x1b: {  	[sflag:s8] =	ssyncadd.s32 $0xFFFFE000  }
0x1c: {  	[hbm4b:s9+s3] =	stream.linear.scatter [tilespmem:s7], [sflag:$0x2], $0x2000, $0x38;
	[tilespmem:$0x2080] =	vst v63  }
0x1d: {  	_ =	swait.ge [sflag:s4], $0x2000  }
0x1e: {  	[sflag:s4] =	ssyncset.done $0x0  }
.LBB2_2:
0x1f: {  	[sflag:s4] =	ssyncadd.s32 $0xFFFFE000  }
0x20: {  	_ =	sfence.sel $0x180000  }
0x21: {  	[bflag:$0x0] =	sbarrier.arrive $0xFFFF  }
0x22: {  	p0 =	sne.s32 s0, $0x0;
	_ =	strace $0x90000047  }
0x23: {  	s0 =	sadd.s32 @!p0 $0x100000, s2;
	[bflag:$0x2] =	sbarrier.arrive $0xFFFF  }
0x24: {  	[sflag:s0] =	ssyncadd.tile.s32 @!p0 $0x1;
	_ =	shalt  }
.Lfunc_end2:
_tile_overlayer_lowered:
.L_overlay_start_2:
0x25: {  	(tag) =	ssettag $0x2  }
0x26: {  	s0 =	rddreg [dreg:$0x0];
	s2 =	stileid.u32  }
0x27: {  	s1 =	rddreg [dreg:$0x1];
	p0 =	sne.s32 s2, $0x0  }
0x28: {  	s3 =	rddreg [dreg:$0x2];
	[bflag:$0x3] =	sbarrier.arrive $0xFFFF;
	s2 =	simm.s32 @!p0 $0x1C02  }
0x29: {  	[timem:s3], [sflag:s2] =	dma.local @!p0 [hbm:s0], s1  }
0x2a: {  	s0 =	simm.s32 @!p0 $0x2  }
0x2b: {  	_ =	swait.ge @!p0 [sflag:s0], s1  }
0x2c: {  	s1 =	ssub.s32 @!p0 $0x0, s1;
	[sflag:s0] =	ssyncset.done @!p0 $0x0  }
0x2d: {  	[sflag:s0] =	ssyncadd.s32 @!p0 s1  }
0x2e: {  	[bflag:$0x3] =	sbarrier.arrive $0xFFFF  }
0x2f: {  	_ =	shalt  }

</sc_bundles>
